<compile_context>
chip_gen: v7x
topology: tpu7x:2x2x1
jax: 0.10.2.dev20260603
libtpu: 0.0.44.dev20260713+nightly
codegen_flags: <defaults>
</compile_context>

<pallas_src>
import functools

import jax
import jax.numpy as jnp
from jax import lax
from jax.experimental import pallas as pl
from jax.experimental.pallas import tpu as pltpu
from jax.experimental.pallas import tpu_sc as plsc

N = 10000
E = 160000
D = 256
H = 128
NC = 2
NS = 16
CH = 64
NB = 4
CPS = 160
E_PAD = NS * CH * CPS
NCH = E_PAD // CH
ACC_ROWS = N + 8
OR_STEP = 624
OR_LEN = 640
ZCH = 80


def _sc_body(xh, idx, zrows, out, i0, i1, i2, i3, rows, acc, gsem, ssem, dsem, zsem):
    c = lax.axis_index("c")
    s = lax.axis_index("s")
    ibuf = (i0, i1, i2, i3)
    for k in range(OR_LEN // ZCH):
        pltpu.async_copy(zrows, acc.at[pl.ds(s * OR_STEP + k * ZCH, ZCH)], zsem)
    for k in range(OR_LEN // ZCH):
        pltpu.make_async_copy(
            zrows, acc.at[pl.ds(s * OR_STEP + k * ZCH, ZCH)], zsem
        ).wait()

    def dstage(j, b):
        pltpu.async_copy(idx.at[c, s * CPS + j], ibuf[b], dsem.at[b])

    def dwait(j, b):
        pltpu.make_async_copy(idx.at[c, s * CPS + j], ibuf[b], dsem.at[b]).wait()

    def gather_start(j, b):
        pltpu.async_copy(xh.at[ibuf[b].at[0]], rows.at[b], gsem.at[b])

    def gwait(j, b):
        pltpu.make_async_copy(xh.at[ibuf[b].at[0]], rows.at[b], gsem.at[b]).wait()

    def scatter_start(j, b):
        pltpu.async_copy(rows.at[b], acc.at[ibuf[b].at[1]], ssem.at[b], add=True)

    def swait(j, b):
        pltpu.make_async_copy(rows.at[b], acc.at[ibuf[b].at[1]], ssem.at[b]).wait()

    plsc.subcore_barrier()

    def step(j, b, first, do_dstage, do_gather):
        if not first:
            swait(j - 1, (b - 1) % NB)
        if do_dstage:
            dstage(j + NB - 1, (b + NB - 1) % NB)
        if do_gather:
            dwait(j + NB - 2, (b + NB - 2) % NB)
            gather_start(j + NB - 2, (b + NB - 2) % NB)
        gwait(j, b)
        scatter_start(j, b)

    for b in range(NB - 1):
        dstage(b, b)
    for b in range(NB - 2):
        dwait(b, b)
        gather_start(b, b)
    for b in range(NB):
        step(b, b, first=(b == 0), do_dstage=True, do_gather=True)

    def group_body(g, carry):
        for b in range(NB):
            step(g * NB + b, b, first=False, do_dstage=True, do_gather=True)
        return carry

    lax.fori_loop(1, CPS // NB - 1, group_body, 0)
    for b in range(NB):
        j = CPS - NB + b
        step(
            j, b, first=False, do_dstage=(j + NB - 1 < CPS), do_gather=(j + NB - 2 < CPS)
        )
    swait(CPS - 1, NB - 1)

    plsc.subcore_barrier()
    pltpu.sync_copy(
        acc.at[pl.ds(s * OR_STEP, OR_LEN)], out.at[c, pl.ds(s * OR_STEP, OR_LEN)]
    )


_sc_scatter = functools.partial(
    pl.kernel,
    out_type=jax.ShapeDtypeStruct((NC, N, H), jnp.float32),
    mesh=plsc.VectorSubcoreMesh(core_axis_name="c", subcore_axis_name="s"),
    scratch_types=[
        pltpu.VMEM((2, CH), jnp.int32),
        pltpu.VMEM((2, CH), jnp.int32),
        pltpu.VMEM((2, CH), jnp.int32),
        pltpu.VMEM((2, CH), jnp.int32),
        pltpu.VMEM((NB, CH, H), jnp.float32),
        pltpu.VMEM_SHARED((ACC_ROWS, H), jnp.float32),
        pltpu.SemaphoreType.DMA((NB,)),
        pltpu.SemaphoreType.DMA((NB,)),
        pltpu.SemaphoreType.DMA((NB,)),
        pltpu.SemaphoreType.DMA,
    ],
)(_sc_body)


BLK = 1000


def _tc_final_body(x_ref, a_ref, deg_ref, w1t_ref, w2t_ref, o_ref):
    inv = 1.0 / deg_ref[...]
    o_ref[...] = (
        jnp.dot(x_ref[...], w2t_ref[...], preferred_element_type=jnp.float32)
        + jnp.dot(a_ref[0] * inv, w1t_ref[0], preferred_element_type=jnp.float32)
        + jnp.dot(a_ref[1] * inv, w1t_ref[1], preferred_element_type=jnp.float32)
    )


def _tc_final(x, agg2, deg, w1t, w2t):
    return pl.pallas_call(
        _tc_final_body,
        grid=(N // BLK,),
        in_specs=[
            pl.BlockSpec((BLK, D), lambda i: (i, 0)),
            pl.BlockSpec((NC, BLK, H), lambda i: (0, i, 0)),
            pl.BlockSpec((BLK, 1), lambda i: (i, 0)),
            pl.BlockSpec((NC, H, D), lambda i: (0, 0, 0)),
            pl.BlockSpec((D, D), lambda i: (0, 0)),
        ],
        out_specs=pl.BlockSpec((BLK, D), lambda i: (i, 0)),
        out_shape=jax.ShapeDtypeStruct((N, D), jnp.float32),
    )(x, agg2, deg, w1t, w2t)


def kernel(x, edge_index, in_degree, W1, W2):
    src = edge_index[0]
    dst = edge_index[1]
    pad = E_PAD - E
    src_p = jnp.concatenate([jnp.int32(2) * src, jnp.zeros((pad,), jnp.int32)])
    dst_p = jnp.concatenate([dst, jnp.full((pad,), N, jnp.int32)])
    base = src_p.reshape(NCH, CH)
    srcs = jnp.stack([base, base + 1])
    dsts = jnp.broadcast_to(dst_p.reshape(1, NCH, CH), (NC, NCH, CH))
    idx = jnp.stack([srcs, dsts], axis=2)
    x2 = x.reshape(NC * N, H)
    zrows = jnp.zeros((ZCH, H), jnp.float32)
    agg2 = _sc_scatter(x2, idx, zrows)
    w1t = W1.T.reshape(NC, H, D)
    out = _tc_final(x, agg2, in_degree.reshape(N, 1), w1t, W2.T)
    return out

# --- scband reference (transcript-rebuilt; emitter-appended) ---
"""Pipeline reference for scband-dist-sage-conv-21698174779744 (READ-ONLY COPY).

The authoritative reference and input builder live on the scoring server;
editing this copy changes nothing except your own understanding.
"""

import jax, jax.numpy as jnp
import numpy as np

N = 10000
E = 160000
D_IN = 256
D_OUT = 256


def setup_inputs(seed: int = 0) -> dict:
    key = jax.random.key(seed)
    k1, k2, k3, k4 = jax.random.split(key, 4)
    x = jax.random.normal(k1, (N, D_IN), dtype=jnp.float32)
    edge_index = jax.random.randint(k2, (2, E), 0, N, dtype=jnp.int32)
    # in_degree of destination nodes (clamped to 1 to avoid div-by-zero),
    # mirroring bipartite_graph.in_degree used for mean-style normalization
    deg = jnp.bincount(edge_index[1], length=N).astype(jnp.float32)
    in_degree = jnp.clip(deg, 1.0, None)
    # xavier_uniform with relu gain, matching reset_parameters()
    gain = np.sqrt(2.0)
    bound = gain * np.sqrt(6.0 / (D_IN + D_OUT))
    W1 = jax.random.uniform(k3, (D_OUT, D_IN), dtype=jnp.float32, minval=-bound, maxval=bound)
    W2 = jax.random.uniform(k4, (D_OUT, D_IN), dtype=jnp.float32, minval=-bound, maxval=bound)
    return {"x": x, "edge_index": edge_index, "in_degree": in_degree, "W1": W1, "W2": W2}


def reference(x, edge_index, in_degree, W1, W2):
    # in_feats == out_feats, so fc1.in_features > fc1.out_features is False ->
    # else branch: aggregate raw features first, then apply fc1.
    src = edge_index[0]
    dst = edge_index[1]
    # bipartite_graph.gather: scatter-sum of source features onto dst nodes
    agg = jax.ops.segment_sum(x[src], dst, num_segments=N)
    # Shuffle / slice_owned_nodes are distributed identity ops on a single shard.
    # Normalize by in_degree, then fc1 (no bias)
    neigh = (agg / in_degree[:, None]) @ W1.T
    # self path: self_gather + slice_owned_nodes == identity on owned nodes; fc2 (no bias)
    self_out = x @ W2.T
    final = self_out + neigh
    return final

if __name__ == "__main__":
    import jax
    _d = setup_inputs()
    print(jax.jit(kernel)(*tuple(_d.values())))

</pallas_src>

<mosaic_0001>
#map = affine_map<(d0, d1) -> (0, 0)>
#map1 = affine_map<(d0, d1) -> (0, 0, 0, 0)>
#map2 = affine_map<(d0, d1) -> (0, 0, 0)>
module attributes {stable_mosaic.version = 14 : i64} {
  func.func @_sc_body(%arg0: i32, %arg1: i32, %arg2: memref<20000x128xf32, #tpu.memory_space<hbm>>, %arg3: memref<2x2560x2x64xi32, #tpu.memory_space<hbm>>, %arg4: memref<80x128xf32, #tpu.memory_space<hbm>>, %arg5: memref<2x10000x128xf32, #tpu.memory_space<hbm>>, %arg6: memref<2x64xi32, #tpu.memory_space<vmem>>, %arg7: memref<2x64xi32, #tpu.memory_space<vmem>>, %arg8: memref<2x64xi32, #tpu.memory_space<vmem>>, %arg9: memref<2x64xi32, #tpu.memory_space<vmem>>, %arg10: memref<4x64x128xf32, #tpu.memory_space<vmem>>, %arg11: memref<10008x128xf32, #tpu.memory_space<vmem_shared>>, %arg12: memref<4x!tpu.dma_semaphore, #tpu.memory_space<semaphore_mem>>, %arg13: memref<4x!tpu.dma_semaphore, #tpu.memory_space<semaphore_mem>>, %arg14: memref<4x!tpu.dma_semaphore, #tpu.memory_space<semaphore_mem>>, %arg15: memref<!tpu.dma_semaphore, #tpu.memory_space<semaphore_mem>>) attributes {dimension_semantics = [#tpu.dimension_semantics<core_parallel>, #tpu.dimension_semantics<subcore_parallel>], iteration_bounds = array<i64: 2, 16>, scalar_prefetch = 0 : i64, scratch_operands = 10 : i64, tpu.core_type = #tpu.core_type<sc_vector_subcore>, window_params = [{transform_indices = #map}, {transform_indices = #map1}, {transform_indices = #map}, {transform_indices = #map2}]} {
    %mul3A = arith.constant 624 : i32
    %mul3A_0 = arith.muli %arg1, %mul3A : i32
    %add3A = arith.constant 0 : i32
    %add3A_1 = arith.addi %mul3A_0, %add3A : i32
    %dma_start3A = arith.constant 0 : i32
    %dma_start3A_2 = tpu.memref_slice %arg11[%add3A_1, %dma_start3A] : memref<10008x128xf32, #tpu.memory_space<vmem_shared>> -> memref<80x128xf32, #tpu.memory_space<vmem_shared>>
    tpu.enqueue_dma source(%arg4 : memref<80x128xf32, #tpu.memory_space<hbm>>) target(%dma_start3A_2 : memref<80x128xf32, #tpu.memory_space<vmem_shared>>) target_semaphore(%arg15 : memref<!tpu.dma_semaphore, #tpu.memory_space<semaphore_mem>>)
    %mul3A_3 = arith.constant 624 : i32
    %mul3A_4 = arith.muli %arg1, %mul3A_3 : i32
    %add3A_5 = arith.constant 80 : i32
    %add3A_6 = arith.addi %mul3A_4, %add3A_5 : i32
    %dma_start3A_7 = arith.constant 0 : i32
    %dma_start3A_8 = tpu.memref_slice %arg11[%add3A_6, %dma_start3A_7] : memref<10008x128xf32, #tpu.memory_space<vmem_shared>> -> memref<80x128xf32, #tpu.memory_space<vmem_shared>>
    tpu.enqueue_dma source(%arg4 : memref<80x128xf32, #tpu.memory_space<hbm>>) target(%dma_start3A_8 : memref<80x128xf32, #tpu.memory_space<vmem_shared>>) target_semaphore(%arg15 : memref<!tpu.dma_semaphore, #tpu.memory_space<semaphore_mem>>)
    %mul3A_9 = arith.constant 624 : i32
    %mul3A_10 = arith.muli %arg1, %mul3A_9 : i32
    %add3A_11 = arith.constant 160 : i32
    %add3A_12 = arith.addi %mul3A_10, %add3A_11 : i32
    %dma_start3A_13 = arith.constant 0 : i32
    %dma_start3A_14 = tpu.memref_slice %arg11[%add3A_12, %dma_start3A_13] : memref<10008x128xf32, #tpu.memory_space<vmem_shared>> -> memref<80x128xf32, #tpu.memory_space<vmem_shared>>
    tpu.enqueue_dma source(%arg4 : memref<80x128xf32, #tpu.memory_space<hbm>>) target(%dma_start3A_14 : memref<80x128xf32, #tpu.memory_space<vmem_shared>>) target_semaphore(%arg15 : memref<!tpu.dma_semaphore, #tpu.memory_space<semaphore_mem>>)
    %mul3A_15 = arith.constant 624 : i32
    %mul3A_16 = arith.muli %arg1, %mul3A_15 : i32
    %add3A_17 = arith.constant 240 : i32
    %add3A_18 = arith.addi %mul3A_16, %add3A_17 : i32
    %dma_start3A_19 = arith.constant 0 : i32
    %dma_start3A_20 = tpu.memref_slice %arg11[%add3A_18, %dma_start3A_19] : memref<10008x128xf32, #tpu.memory_space<vmem_shared>> -> memref<80x128xf32, #tpu.memory_space<vmem_shared>>
    tpu.enqueue_dma source(%arg4 : memref<80x128xf32, #tpu.memory_space<hbm>>) target(%dma_start3A_20 : memref<80x128xf32, #tpu.memory_space<vmem_shared>>) target_semaphore(%arg15 : memref<!tpu.dma_semaphore, #tpu.memory_space<semaphore_mem>>)
    %mul3A_21 = arith.constant 624 : i32
    %mul3A_22 = arith.muli %arg1, %mul3A_21 : i32
    %add3A_23 = arith.constant 320 : i32
    %add3A_24 = arith.addi %mul3A_22, %add3A_23 : i32
    %dma_start3A_25 = arith.constant 0 : i32
    %dma_start3A_26 = tpu.memref_slice %arg11[%add3A_24, %dma_start3A_25] : memref<10008x128xf32, #tpu.memory_space<vmem_shared>> -> memref<80x128xf32, #tpu.memory_space<vmem_shared>>
    tpu.enqueue_dma source(%arg4 : memref<80x128xf32, #tpu.memory_space<hbm>>) target(%dma_start3A_26 : memref<80x128xf32, #tpu.memory_space<vmem_shared>>) target_semaphore(%arg15 : memref<!tpu.dma_semaphore, #tpu.memory_space<semaphore_mem>>)
    %mul3A_27 = arith.constant 624 : i32
    %mul3A_28 = arith.muli %arg1, %mul3A_27 : i32
    %add3A_29 = arith.constant 400 : i32
    %add3A_30 = arith.addi %mul3A_28, %add3A_29 : i32
    %dma_start3A_31 = arith.constant 0 : i32
    %dma_start3A_32 = tpu.memref_slice %arg11[%add3A_30, %dma_start3A_31] : memref<10008x128xf32, #tpu.memory_space<vmem_shared>> -> memref<80x128xf32, #tpu.memory_space<vmem_shared>>
    tpu.enqueue_dma source(%arg4 : memref<80x128xf32, #tpu.memory_space<hbm>>) target(%dma_start3A_32 : memref<80x128xf32, #tpu.memory_space<vmem_shared>>) target_semaphore(%arg15 : memref<!tpu.dma_semaphore, #tpu.memory_space<semaphore_mem>>)
    %mul3A_33 = arith.constant 624 : i32
    %mul3A_34 = arith.muli %arg1, %mul3A_33 : i32
    %add3A_35 = arith.constant 480 : i32
    %add3A_36 = arith.addi %mul3A_34, %add3A_35 : i32
    %dma_start3A_37 = arith.constant 0 : i32
    %dma_start3A_38 = tpu.memref_slice %arg11[%add3A_36, %dma_start3A_37] : memref<10008x128xf32, #tpu.memory_space<vmem_shared>> -> memref<80x128xf32, #tpu.memory_space<vmem_shared>>
    tpu.enqueue_dma source(%arg4 : memref<80x128xf32, #tpu.memory_space<hbm>>) target(%dma_start3A_38 : memref<80x128xf32, #tpu.memory_space<vmem_shared>>) target_semaphore(%arg15 : memref<!tpu.dma_semaphore, #tpu.memory_space<semaphore_mem>>)
    %mul3A_39 = arith.constant 624 : i32
    %mul3A_40 = arith.muli %arg1, %mul3A_39 : i32
    %add3A_41 = arith.constant 560 : i32
    %add3A_42 = arith.addi %mul3A_40, %add3A_41 : i32
    %dma_start3A_43 = arith.constant 0 : i32
    %dma_start3A_44 = tpu.memref_slice %arg11[%add3A_42, %dma_start3A_43] : memref<10008x128xf32, #tpu.memory_space<vmem_shared>> -> memref<80x128xf32, #tpu.memory_space<vmem_shared>>
    tpu.enqueue_dma source(%arg4 : memref<80x128xf32, #tpu.memory_space<hbm>>) target(%dma_start3A_44 : memref<80x128xf32, #tpu.memory_space<vmem_shared>>) target_semaphore(%arg15 : memref<!tpu.dma_semaphore, #tpu.memory_space<semaphore_mem>>)
    %mul3A_45 = arith.constant 624 : i32
    %mul3A_46 = arith.muli %arg1, %mul3A_45 : i32
    %add3A_47 = arith.constant 0 : i32
    %add3A_48 = arith.addi %mul3A_46, %add3A_47 : i32
    %dma_wait3A = arith.constant 0 : i32
    %dma_wait3A_49 = tpu.memref_slice %arg11[%add3A_48, %dma_wait3A] : memref<10008x128xf32, #tpu.memory_space<vmem_shared>> -> memref<80x128xf32, #tpu.memory_space<vmem_shared>>
    tpu.wait_dma2 semaphore(%arg15 : memref<!tpu.dma_semaphore, #tpu.memory_space<semaphore_mem>>) src(%arg4 : memref<80x128xf32, #tpu.memory_space<hbm>>) dst(%dma_wait3A_49 : memref<80x128xf32, #tpu.memory_space<vmem_shared>>)
    %mul3A_50 = arith.constant 624 : i32
    %mul3A_51 = arith.muli %arg1, %mul3A_50 : i32
    %add3A_52 = arith.constant 80 : i32
    %add3A_53 = arith.addi %mul3A_51, %add3A_52 : i32
    %dma_wait3A_54 = arith.constant 0 : i32
    %dma_wait3A_55 = tpu.memref_slice %arg11[%add3A_53, %dma_wait3A_54] : memref<10008x128xf32, #tpu.memory_space<vmem_shared>> -> memref<80x128xf32, #tpu.memory_space<vmem_shared>>
    tpu.wait_dma2 semaphore(%arg15 : memref<!tpu.dma_semaphore, #tpu.memory_space<semaphore_mem>>) src(%arg4 : memref<80x128xf32, #tpu.memory_space<hbm>>) dst(%dma_wait3A_55 : memref<80x128xf32, #tpu.memory_space<vmem_shared>>)
    %mul3A_56 = arith.constant 624 : i32
    %mul3A_57 = arith.muli %arg1, %mul3A_56 : i32
    %add3A_58 = arith.constant 160 : i32
    %add3A_59 = arith.addi %mul3A_57, %add3A_58 : i32
    %dma_wait3A_60 = arith.constant 0 : i32
    %dma_wait3A_61 = tpu.memref_slice %arg11[%add3A_59, %dma_wait3A_60] : memref<10008x128xf32, #tpu.memory_space<vmem_shared>> -> memref<80x128xf32, #tpu.memory_space<vmem_shared>>
    tpu.wait_dma2 semaphore(%arg15 : memref<!tpu.dma_semaphore, #tpu.memory_space<semaphore_mem>>) src(%arg4 : memref<80x128xf32, #tpu.memory_space<hbm>>) dst(%dma_wait3A_61 : memref<80x128xf32, #tpu.memory_space<vmem_shared>>)
    %mul3A_62 = arith.constant 624 : i32
    %mul3A_63 = arith.muli %arg1, %mul3A_62 : i32
    %add3A_64 = arith.constant 240 : i32
    %add3A_65 = arith.addi %mul3A_63, %add3A_64 : i32
    %dma_wait3A_66 = arith.constant 0 : i32
    %dma_wait3A_67 = tpu.memref_slice %arg11[%add3A_65, %dma_wait3A_66] : memref<10008x128xf32, #tpu.memory_space<vmem_shared>> -> memref<80x128xf32, #tpu.memory_space<vmem_shared>>
    tpu.wait_dma2 semaphore(%arg15 : memref<!tpu.dma_semaphore, #tpu.memory_space<semaphore_mem>>) src(%arg4 : memref<80x128xf32, #tpu.memory_space<hbm>>) dst(%dma_wait3A_67 : memref<80x128xf32, #tpu.memory_space<vmem_shared>>)
    %mul3A_68 = arith.constant 624 : i32
    %mul3A_69 = arith.muli %arg1, %mul3A_68 : i32
    %add3A_70 = arith.constant 320 : i32
    %add3A_71 = arith.addi %mul3A_69, %add3A_70 : i32
    %dma_wait3A_72 = arith.constant 0 : i32
    %dma_wait3A_73 = tpu.memref_slice %arg11[%add3A_71, %dma_wait3A_72] : memref<10008x128xf32, #tpu.memory_space<vmem_shared>> -> memref<80x128xf32, #tpu.memory_space<vmem_shared>>
    tpu.wait_dma2 semaphore(%arg15 : memref<!tpu.dma_semaphore, #tpu.memory_space<semaphore_mem>>) src(%arg4 : memref<80x128xf32, #tpu.memory_space<hbm>>) dst(%dma_wait3A_73 : memref<80x128xf32, #tpu.memory_space<vmem_shared>>)
    %mul3A_74 = arith.constant 624 : i32
    %mul3A_75 = arith.muli %arg1, %mul3A_74 : i32
    %add3A_76 = arith.constant 400 : i32
    %add3A_77 = arith.addi %mul3A_75, %add3A_76 : i32
    %dma_wait3A_78 = arith.constant 0 : i32
    %dma_wait3A_79 = tpu.memref_slice %arg11[%add3A_77, %dma_wait3A_78] : memref<10008x128xf32, #tpu.memory_space<vmem_shared>> -> memref<80x128xf32, #tpu.memory_space<vmem_shared>>
    tpu.wait_dma2 semaphore(%arg15 : memref<!tpu.dma_semaphore, #tpu.memory_space<semaphore_mem>>) src(%arg4 : memref<80x128xf32, #tpu.memory_space<hbm>>) dst(%dma_wait3A_79 : memref<80x128xf32, #tpu.memory_space<vmem_shared>>)
    %mul3A_80 = arith.constant 624 : i32
    %mul3A_81 = arith.muli %arg1, %mul3A_80 : i32
    %add3A_82 = arith.constant 480 : i32
    %add3A_83 = arith.addi %mul3A_81, %add3A_82 : i32
    %dma_wait3A_84 = arith.constant 0 : i32
    %dma_wait3A_85 = tpu.memref_slice %arg11[%add3A_83, %dma_wait3A_84] : memref<10008x128xf32, #tpu.memory_space<vmem_shared>> -> memref<80x128xf32, #tpu.memory_space<vmem_shared>>
    tpu.wait_dma2 semaphore(%arg15 : memref<!tpu.dma_semaphore, #tpu.memory_space<semaphore_mem>>) src(%arg4 : memref<80x128xf32, #tpu.memory_space<hbm>>) dst(%dma_wait3A_85 : memref<80x128xf32, #tpu.memory_space<vmem_shared>>)
    %mul3A_86 = arith.constant 624 : i32
    %mul3A_87 = arith.muli %arg1, %mul3A_86 : i32
    %add3A_88 = arith.constant 560 : i32
    %add3A_89 = arith.addi %mul3A_87, %add3A_88 : i32
    %dma_wait3A_90 = arith.constant 0 : i32
    %dma_wait3A_91 = tpu.memref_slice %arg11[%add3A_89, %dma_wait3A_90] : memref<10008x128xf32, #tpu.memory_space<vmem_shared>> -> memref<80x128xf32, #tpu.memory_space<vmem_shared>>
    tpu.wait_dma2 semaphore(%arg15 : memref<!tpu.dma_semaphore, #tpu.memory_space<semaphore_mem>>) src(%arg4 : memref<80x128xf32, #tpu.memory_space<hbm>>) dst(%dma_wait3A_91 : memref<80x128xf32, #tpu.memory_space<vmem_shared>>)
    %barrier3A = arith.constant 0 : index
    tpu.barrier barrier_id(%barrier3A)
    %mul3A_92 = arith.constant 160 : i32
    %mul3A_93 = arith.muli %arg1, %mul3A_92 : i32
    %add3A_94 = arith.constant 0 : i32
    %add3A_95 = arith.addi %mul3A_93, %add3A_94 : i32
    %dma_start3A_96 = arith.constant 0 : i32
    %dma_start3A_97 = arith.constant 0 : i32
    %dma_start3A_98 = arith.constant 0 : i32
    %dma_start3A_99 = tpu.memref_slice %arg3[%arg0, %add3A_95, %dma_start3A_97, %dma_start3A_98] : memref<2x2560x2x64xi32, #tpu.memory_space<hbm>> -> memref<1x1x2x64xi32, #tpu.memory_space<hbm>>
    %dma_start3A_100 = tpu.memref_squeeze %dma_start3A_99 : memref<1x1x2x64xi32, #tpu.memory_space<hbm>> -> memref<2x64xi32, #tpu.memory_space<hbm>>
    %dma_start3A_101 = tpu.memref_slice %arg14[%dma_start3A_96] : memref<4x!tpu.dma_semaphore, #tpu.memory_space<semaphore_mem>> -> memref<1x!tpu.dma_semaphore, #tpu.memory_space<semaphore_mem>>
    %dma_start3A_102 = tpu.memref_squeeze %dma_start3A_101 : memref<1x!tpu.dma_semaphore, #tpu.memory_space<semaphore_mem>> -> memref<!tpu.dma_semaphore, #tpu.memory_space<semaphore_mem>>
    %dma_start3A_103 = arith.constant 0 : i32
    %dma_start3A_104 = arith.constant 0 : i32
    %dma_start3A_105 = tpu.memref_slice %arg3[%arg0, %add3A_95, %dma_start3A_103, %dma_start3A_104] : memref<2x2560x2x64xi32, #tpu.memory_space<hbm>> -> memref<1x1x2x64xi32, #tpu.memory_space<hbm>>
    %dma_start3A_106 = tpu.memref_squeeze %dma_start3A_105 : memref<1x1x2x64xi32, #tpu.memory_space<hbm>> -> memref<2x64xi32, #tpu.memory_space<hbm>>
    tpu.enqueue_dma source(%dma_start3A_106 : memref<2x64xi32, #tpu.memory_space<hbm>>) target(%arg6 : memref<2x64xi32, #tpu.memory_space<vmem>>) target_semaphore(%dma_start3A_102 : memref<!tpu.dma_semaphore, #tpu.memory_space<semaphore_mem>>)
    %mul3A_107 = arith.constant 160 : i32
    %mul3A_108 = arith.muli %arg1, %mul3A_107 : i32
    %add3A_109 = arith.constant 1 : i32
    %add3A_110 = arith.addi %mul3A_108, %add3A_109 : i32
    %dma_start3A_111 = arith.constant 1 : i32
    %dma_start3A_112 = arith.constant 0 : i32
    %dma_start3A_113 = arith.constant 0 : i32
    %dma_start3A_114 = tpu.memref_slice %arg3[%arg0, %add3A_110, %dma_start3A_112, %dma_start3A_113] : memref<2x2560x2x64xi32, #tpu.memory_space<hbm>> -> memref<1x1x2x64xi32, #tpu.memory_space<hbm>>
    %dma_start3A_115 = tpu.memref_squeeze %dma_start3A_114 : memref<1x1x2x64xi32, #tpu.memory_space<hbm>> -> memref<2x64xi32, #tpu.memory_space<hbm>>
    %dma_start3A_116 = tpu.memref_slice %arg14[%dma_start3A_111] : memref<4x!tpu.dma_semaphore, #tpu.memory_space<semaphore_mem>> -> memref<1x!tpu.dma_semaphore, #tpu.memory_space<semaphore_mem>>
    %dma_start3A_117 = tpu.memref_squeeze %dma_start3A_116 : memref<1x!tpu.dma_semaphore, #tpu.memory_space<semaphore_mem>> -> memref<!tpu.dma_semaphore, #tpu.memory_space<semaphore_mem>>
    %dma_start3A_118 = arith.constant 0 : i32
    %dma_start3A_119 = arith.constant 0 : i32
    %dma_start3A_120 = tpu.memref_slice %arg3[%arg0, %add3A_110, %dma_start3A_118, %dma_start3A_119] : memref<2x2560x2x64xi32, #tpu.memory_space<hbm>> -> memref<1x1x2x64xi32, #tpu.memory_space<hbm>>
    %dma_start3A_121 = tpu.memref_squeeze %dma_start3A_120 : memref<1x1x2x64xi32, #tpu.memory_space<hbm>> -> memref<2x64xi32, #tpu.memory_space<hbm>>
    tpu.enqueue_dma source(%dma_start3A_121 : memref<2x64xi32, #tpu.memory_space<hbm>>) target(%arg7 : memref<2x64xi32, #tpu.memory_space<vmem>>) target_semaphore(%dma_start3A_117 : memref<!tpu.dma_semaphore, #tpu.memory_space<semaphore_mem>>)
    %mul3A_122 = arith.constant 160 : i32
    %mul3A_123 = arith.muli %arg1, %mul3A_122 : i32
    %add3A_124 = arith.constant 2 : i32
    %add3A_125 = arith.addi %mul3A_123, %add3A_124 : i32
    %dma_start3A_126 = arith.constant 2 : i32
    %dma_start3A_127 = arith.constant 0 : i32
    %dma_start3A_128 = arith.constant 0 : i32
    %dma_start3A_129 = tpu.memref_slice %arg3[%arg0, %add3A_125, %dma_start3A_127, %dma_start3A_128] : memref<2x2560x2x64xi32, #tpu.memory_space<hbm>> -> memref<1x1x2x64xi32, #tpu.memory_space<hbm>>
    %dma_start3A_130 = tpu.memref_squeeze %dma_start3A_129 : memref<1x1x2x64xi32, #tpu.memory_space<hbm>> -> memref<2x64xi32, #tpu.memory_space<hbm>>
    %dma_start3A_131 = tpu.memref_slice %arg14[%dma_start3A_126] : memref<4x!tpu.dma_semaphore, #tpu.memory_space<semaphore_mem>> -> memref<1x!tpu.dma_semaphore, #tpu.memory_space<semaphore_mem>>
    %dma_start3A_132 = tpu.memref_squeeze %dma_start3A_131 : memref<1x!tpu.dma_semaphore, #tpu.memory_space<semaphore_mem>> -> memref<!tpu.dma_semaphore, #tpu.memory_space<semaphore_mem>>
    %dma_start3A_133 = arith.constant 0 : i32
    %dma_start3A_134 = arith.constant 0 : i32
    %dma_start3A_135 = tpu.memref_slice %arg3[%arg0, %add3A_125, %dma_start3A_133, %dma_start3A_134] : memref<2x2560x2x64xi32, #tpu.memory_space<hbm>> -> memref<1x1x2x64xi32, #tpu.memory_space<hbm>>
    %dma_start3A_136 = tpu.memref_squeeze %dma_start3A_135 : memref<1x1x2x64xi32, #tpu.memory_space<hbm>> -> memref<2x64xi32, #tpu.memory_space<hbm>>
    tpu.enqueue_dma source(%dma_start3A_136 : memref<2x64xi32, #tpu.memory_space<hbm>>) target(%arg8 : memref<2x64xi32, #tpu.memory_space<vmem>>) target_semaphore(%dma_start3A_132 : memref<!tpu.dma_semaphore, #tpu.memory_space<semaphore_mem>>)
    %mul3A_137 = arith.constant 160 : i32
    %mul3A_138 = arith.muli %arg1, %mul3A_137 : i32
    %add3A_139 = arith.constant 0 : i32
    %add3A_140 = arith.addi %mul3A_138, %add3A_139 : i32
    %dma_wait3A_141 = arith.constant 0 : i32
    %dma_wait3A_142 = arith.constant 0 : i32
    %dma_wait3A_143 = arith.constant 0 : i32
    %dma_wait3A_144 = tpu.memref_slice %arg3[%arg0, %add3A_140, %dma_wait3A_142, %dma_wait3A_143] : memref<2x2560x2x64xi32, #tpu.memory_space<hbm>> -> memref<1x1x2x64xi32, #tpu.memory_space<hbm>>
    %dma_wait3A_145 = tpu.memref_squeeze %dma_wait3A_144 : memref<1x1x2x64xi32, #tpu.memory_space<hbm>> -> memref<2x64xi32, #tpu.memory_space<hbm>>
    %dma_wait3A_146 = tpu.memref_slice %arg14[%dma_wait3A_141] : memref<4x!tpu.dma_semaphore, #tpu.memory_space<semaphore_mem>> -> memref<1x!tpu.dma_semaphore, #tpu.memory_space<semaphore_mem>>
    %dma_wait3A_147 = tpu.memref_squeeze %dma_wait3A_146 : memref<1x!tpu.dma_semaphore, #tpu.memory_space<semaphore_mem>> -> memref<!tpu.dma_semaphore, #tpu.memory_space<semaphore_mem>>
    %dma_wait3A_148 = arith.constant 0 : i32
    %dma_wait3A_149 = arith.constant 0 : i32
    %dma_wait3A_150 = tpu.memref_slice %arg3[%arg0, %add3A_140, %dma_wait3A_148, %dma_wait3A_149] : memref<2x2560x2x64xi32, #tpu.memory_space<hbm>> -> memref<1x1x2x64xi32, #tpu.memory_space<hbm>>
    %dma_wait3A_151 = tpu.memref_squeeze %dma_wait3A_150 : memref<1x1x2x64xi32, #tpu.memory_space<hbm>> -> memref<2x64xi32, #tpu.memory_space<hbm>>
    tpu.wait_dma2 semaphore(%dma_wait3A_147 : memref<!tpu.dma_semaphore, #tpu.memory_space<semaphore_mem>>) src(%dma_wait3A_151 : memref<2x64xi32, #tpu.memory_space<hbm>>) dst(%arg6 : memref<2x64xi32, #tpu.memory_space<vmem>>)
    %dma_start3A_152 = arith.constant 0 : i32
    %dma_start3A_153 = arith.constant 0 : i32
    %dma_start3A_154 = arith.constant 0 : i32
    %dma_start3A_155 = arith.constant 0 : i32
    %dma_start3A_156 = arith.constant 0 : i32
    %dma_start3A_157 = tpu.memref_slice %arg10[%dma_start3A_153, %dma_start3A_155, %dma_start3A_156] : memref<4x64x128xf32, #tpu.memory_space<vmem>> -> memref<1x64x128xf32, #tpu.memory_space<vmem>>
    %dma_start3A_158 = tpu.memref_squeeze %dma_start3A_157 : memref<1x64x128xf32, #tpu.memory_space<vmem>> -> memref<64x128xf32, #tpu.memory_space<vmem>>
    %dma_start3A_159 = arith.constant 0 : i32
    %dma_start3A_160 = tpu.memref_slice %arg6[%dma_start3A_152, %dma_start3A_159] : memref<2x64xi32, #tpu.memory_space<vmem>> -> memref<1x64xi32, #tpu.memory_space<vmem>>
    %dma_start3A_161 = tpu.memref_squeeze %dma_start3A_160 : memref<1x64xi32, #tpu.memory_space<vmem>> -> memref<64xi32, #tpu.memory_space<vmem>>
    %dma_start3A_162 = arith.constant 0 : i32
    %dma_start3A_163 = arith.constant 0 : i32
    %dma_start3A_164 = tpu.memref_slice %arg2[%dma_start3A_162, %dma_start3A_163] : memref<20000x128xf32, #tpu.memory_space<hbm>> -> memref<20000x128xf32, #tpu.memory_space<hbm>>
    %dma_start3A_165 = tpu.memref_slice %arg12[%dma_start3A_154] : memref<4x!tpu.dma_semaphore, #tpu.memory_space<semaphore_mem>> -> memref<1x!tpu.dma_semaphore, #tpu.memory_space<semaphore_mem>>
    %dma_start3A_166 = tpu.memref_squeeze %dma_start3A_165 : memref<1x!tpu.dma_semaphore, #tpu.memory_space<semaphore_mem>> -> memref<!tpu.dma_semaphore, #tpu.memory_space<semaphore_mem>>
    tpu.enqueue_indirect_dma source(%dma_start3A_164 : memref<20000x128xf32, #tpu.memory_space<hbm>>) target(%dma_start3A_158 : memref<64x128xf32, #tpu.memory_space<vmem>>) offsets(%dma_start3A_161 : memref<64xi32, #tpu.memory_space<vmem>>) semaphore(%dma_start3A_166 : memref<!tpu.dma_semaphore, #tpu.memory_space<semaphore_mem>>)
    %mul3A_167 = arith.constant 160 : i32
    %mul3A_168 = arith.muli %arg1, %mul3A_167 : i32
    %add3A_169 = arith.constant 1 : i32
    %add3A_170 = arith.addi %mul3A_168, %add3A_169 : i32
    %dma_wait3A_171 = arith.constant 1 : i32
    %dma_wait3A_172 = arith.constant 0 : i32
    %dma_wait3A_173 = arith.constant 0 : i32
    %dma_wait3A_174 = tpu.memref_slice %arg3[%arg0, %add3A_170, %dma_wait3A_172, %dma_wait3A_173] : memref<2x2560x2x64xi32, #tpu.memory_space<hbm>> -> memref<1x1x2x64xi32, #tpu.memory_space<hbm>>
    %dma_wait3A_175 = tpu.memref_squeeze %dma_wait3A_174 : memref<1x1x2x64xi32, #tpu.memory_space<hbm>> -> memref<2x64xi32, #tpu.memory_space<hbm>>
    %dma_wait3A_176 = tpu.memref_slice %arg14[%dma_wait3A_171] : memref<4x!tpu.dma_semaphore, #tpu.memory_space<semaphore_mem>> -> memref<1x!tpu.dma_semaphore, #tpu.memory_space<semaphore_mem>>
    %dma_wait3A_177 = tpu.memref_squeeze %dma_wait3A_176 : memref<1x!tpu.dma_semaphore, #tpu.memory_space<semaphore_mem>> -> memref<!tpu.dma_semaphore, #tpu.memory_space<semaphore_mem>>
    %dma_wait3A_178 = arith.constant 0 : i32
    %dma_wait3A_179 = arith.constant 0 : i32
    %dma_wait3A_180 = tpu.memref_slice %arg3[%arg0, %add3A_170, %dma_wait3A_178, %dma_wait3A_179] : memref<2x2560x2x64xi32, #tpu.memory_space<hbm>> -> memref<1x1x2x64xi32, #tpu.memory_space<hbm>>
    %dma_wait3A_181 = tpu.memref_squeeze %dma_wait3A_180 : memref<1x1x2x64xi32, #tpu.memory_space<hbm>> -> memref<2x64xi32, #tpu.memory_space<hbm>>
    tpu.wait_dma2 semaphore(%dma_wait3A_177 : memref<!tpu.dma_semaphore, #tpu.memory_space<semaphore_mem>>) src(%dma_wait3A_181 : memref<2x64xi32, #tpu.memory_space<hbm>>) dst(%arg7 : memref<2x64xi32, #tpu.memory_space<vmem>>)
    %dma_start3A_182 = arith.constant 0 : i32
    %dma_start3A_183 = arith.constant 1 : i32
    %dma_start3A_184 = arith.constant 1 : i32
    %dma_start3A_185 = arith.constant 0 : i32
    %dma_start3A_186 = arith.constant 0 : i32
    %dma_start3A_187 = tpu.memref_slice %arg10[%dma_start3A_183, %dma_start3A_185, %dma_start3A_186] : memref<4x64x128xf32, #tpu.memory_space<vmem>> -> memref<1x64x128xf32, #tpu.memory_space<vmem>>
    %dma_start3A_188 = tpu.memref_squeeze %dma_start3A_187 : memref<1x64x128xf32, #tpu.memory_space<vmem>> -> memref<64x128xf32, #tpu.memory_space<vmem>>
    %dma_start3A_189 = arith.constant 0 : i32
    %dma_start3A_190 = tpu.memref_slice %arg7[%dma_start3A_182, %dma_start3A_189] : memref<2x64xi32, #tpu.memory_space<vmem>> -> memref<1x64xi32, #tpu.memory_space<vmem>>
    %dma_start3A_191 = tpu.memref_squeeze %dma_start3A_190 : memref<1x64xi32, #tpu.memory_space<vmem>> -> memref<64xi32, #tpu.memory_space<vmem>>
    %dma_start3A_192 = arith.constant 0 : i32
    %dma_start3A_193 = arith.constant 0 : i32
    %dma_start3A_194 = tpu.memref_slice %arg2[%dma_start3A_192, %dma_start3A_193] : memref<20000x128xf32, #tpu.memory_space<hbm>> -> memref<20000x128xf32, #tpu.memory_space<hbm>>
    %dma_start3A_195 = tpu.memref_slice %arg12[%dma_start3A_184] : memref<4x!tpu.dma_semaphore, #tpu.memory_space<semaphore_mem>> -> memref<1x!tpu.dma_semaphore, #tpu.memory_space<semaphore_mem>>
    %dma_start3A_196 = tpu.memref_squeeze %dma_start3A_195 : memref<1x!tpu.dma_semaphore, #tpu.memory_space<semaphore_mem>> -> memref<!tpu.dma_semaphore, #tpu.memory_space<semaphore_mem>>
    tpu.enqueue_indirect_dma source(%dma_start3A_194 : memref<20000x128xf32, #tpu.memory_space<hbm>>) target(%dma_start3A_188 : memref<64x128xf32, #tpu.memory_space<vmem>>) offsets(%dma_start3A_191 : memref<64xi32, #tpu.memory_space<vmem>>) semaphore(%dma_start3A_196 : memref<!tpu.dma_semaphore, #tpu.memory_space<semaphore_mem>>)
    %mul3A_197 = arith.constant 160 : i32
    %mul3A_198 = arith.muli %arg1, %mul3A_197 : i32
    %add3A_199 = arith.constant 3 : i32
    %add3A_200 = arith.addi %mul3A_198, %add3A_199 : i32
    %dma_start3A_201 = arith.constant 3 : i32
    %dma_start3A_202 = arith.constant 0 : i32
    %dma_start3A_203 = arith.constant 0 : i32
    %dma_start3A_204 = tpu.memref_slice %arg3[%arg0, %add3A_200, %dma_start3A_202, %dma_start3A_203] : memref<2x2560x2x64xi32, #tpu.memory_space<hbm>> -> memref<1x1x2x64xi32, #tpu.memory_space<hbm>>
    %dma_start3A_205 = tpu.memref_squeeze %dma_start3A_204 : memref<1x1x2x64xi32, #tpu.memory_space<hbm>> -> memref<2x64xi32, #tpu.memory_space<hbm>>
    %dma_start3A_206 = tpu.memref_slice %arg14[%dma_start3A_201] : memref<4x!tpu.dma_semaphore, #tpu.memory_space<semaphore_mem>> -> memref<1x!tpu.dma_semaphore, #tpu.memory_space<semaphore_mem>>
    %dma_start3A_207 = tpu.memref_squeeze %dma_start3A_206 : memref<1x!tpu.dma_semaphore, #tpu.memory_space<semaphore_mem>> -> memref<!tpu.dma_semaphore, #tpu.memory_space<semaphore_mem>>
    %dma_start3A_208 = arith.constant 0 : i32
    %dma_start3A_209 = arith.constant 0 : i32
    %dma_start3A_210 = tpu.memref_slice %arg3[%arg0, %add3A_200, %dma_start3A_208, %dma_start3A_209] : memref<2x2560x2x64xi32, #tpu.memory_space<hbm>> -> memref<1x1x2x64xi32, #tpu.memory_space<hbm>>
    %dma_start3A_211 = tpu.memref_squeeze %dma_start3A_210 : memref<1x1x2x64xi32, #tpu.memory_space<hbm>> -> memref<2x64xi32, #tpu.memory_space<hbm>>
    tpu.enqueue_dma source(%dma_start3A_211 : memref<2x64xi32, #tpu.memory_space<hbm>>) target(%arg9 : memref<2x64xi32, #tpu.memory_space<vmem>>) target_semaphore(%dma_start3A_207 : memref<!tpu.dma_semaphore, #tpu.memory_space<semaphore_mem>>)
    %mul3A_212 = arith.constant 160 : i32
    %mul3A_213 = arith.muli %arg1, %mul3A_212 : i32
    %add3A_214 = arith.constant 2 : i32
    %add3A_215 = arith.addi %mul3A_213, %add3A_214 : i32
    %dma_wait3A_216 = arith.constant 2 : i32
    %dma_wait3A_217 = arith.constant 0 : i32
    %dma_wait3A_218 = arith.constant 0 : i32
    %dma_wait3A_219 = tpu.memref_slice %arg3[%arg0, %add3A_215, %dma_wait3A_217, %dma_wait3A_218] : memref<2x2560x2x64xi32, #tpu.memory_space<hbm>> -> memref<1x1x2x64xi32, #tpu.memory_space<hbm>>
    %dma_wait3A_220 = tpu.memref_squeeze %dma_wait3A_219 : memref<1x1x2x64xi32, #tpu.memory_space<hbm>> -> memref<2x64xi32, #tpu.memory_space<hbm>>
    %dma_wait3A_221 = tpu.memref_slice %arg14[%dma_wait3A_216] : memref<4x!tpu.dma_semaphore, #tpu.memory_space<semaphore_mem>> -> memref<1x!tpu.dma_semaphore, #tpu.memory_space<semaphore_mem>>
    %dma_wait3A_222 = tpu.memref_squeeze %dma_wait3A_221 : memref<1x!tpu.dma_semaphore, #tpu.memory_space<semaphore_mem>> -> memref<!tpu.dma_semaphore, #tpu.memory_space<semaphore_mem>>
    %dma_wait3A_223 = arith.constant 0 : i32
    %dma_wait3A_224 = arith.constant 0 : i32
    %dma_wait3A_225 = tpu.memref_slice %arg3[%arg0, %add3A_215, %dma_wait3A_223, %dma_wait3A_224] : memref<2x2560x2x64xi32, #tpu.memory_space<hbm>> -> memref<1x1x2x64xi32, #tpu.memory_space<hbm>>
    %dma_wait3A_226 = tpu.memref_squeeze %dma_wait3A_225 : memref<1x1x2x64xi32, #tpu.memory_space<hbm>> -> memref<2x64xi32, #tpu.memory_space<hbm>>
    tpu.wait_dma2 semaphore(%dma_wait3A_222 : memref<!tpu.dma_semaphore, #tpu.memory_space<semaphore_mem>>) src(%dma_wait3A_226 : memref<2x64xi32, #tpu.memory_space<hbm>>) dst(%arg8 : memref<2x64xi32, #tpu.memory_space<vmem>>)
    %dma_start3A_227 = arith.constant 0 : i32
    %dma_start3A_228 = arith.constant 2 : i32
    %dma_start3A_229 = arith.constant 2 : i32
    %dma_start3A_230 = arith.constant 0 : i32
    %dma_start3A_231 = arith.constant 0 : i32
    %dma_start3A_232 = tpu.memref_slice %arg10[%dma_start3A_228, %dma_start3A_230, %dma_start3A_231] : memref<4x64x128xf32, #tpu.memory_space<vmem>> -> memref<1x64x128xf32, #tpu.memory_space<vmem>>
    %dma_start3A_233 = tpu.memref_squeeze %dma_start3A_232 : memref<1x64x128xf32, #tpu.memory_space<vmem>> -> memref<64x128xf32, #tpu.memory_space<vmem>>
    %dma_start3A_234 = arith.constant 0 : i32
    %dma_start3A_235 = tpu.memref_slice %arg8[%dma_start3A_227, %dma_start3A_234] : memref<2x64xi32, #tpu.memory_space<vmem>> -> memref<1x64xi32, #tpu.memory_space<vmem>>
    %dma_start3A_236 = tpu.memref_squeeze %dma_start3A_235 : memref<1x64xi32, #tpu.memory_space<vmem>> -> memref<64xi32, #tpu.memory_space<vmem>>
    %dma_start3A_237 = arith.constant 0 : i32
    %dma_start3A_238 = arith.constant 0 : i32
    %dma_start3A_239 = tpu.memref_slice %arg2[%dma_start3A_237, %dma_start3A_238] : memref<20000x128xf32, #tpu.memory_space<hbm>> -> memref<20000x128xf32, #tpu.memory_space<hbm>>
    %dma_start3A_240 = tpu.memref_slice %arg12[%dma_start3A_229] : memref<4x!tpu.dma_semaphore, #tpu.memory_space<semaphore_mem>> -> memref<1x!tpu.dma_semaphore, #tpu.memory_space<semaphore_mem>>
    %dma_start3A_241 = tpu.memref_squeeze %dma_start3A_240 : memref<1x!tpu.dma_semaphore, #tpu.memory_space<semaphore_mem>> -> memref<!tpu.dma_semaphore, #tpu.memory_space<semaphore_mem>>
    tpu.enqueue_indirect_dma source(%dma_start3A_239 : memref<20000x128xf32, #tpu.memory_space<hbm>>) target(%dma_start3A_233 : memref<64x128xf32, #tpu.memory_space<vmem>>) offsets(%dma_start3A_236 : memref<64xi32, #tpu.memory_space<vmem>>) semaphore(%dma_start3A_241 : memref<!tpu.dma_semaphore, #tpu.memory_space<semaphore_mem>>)
    %dma_wait3A_242 = arith.constant 0 : i32
    %dma_wait3A_243 = arith.constant 0 : i32
    %dma_wait3A_244 = arith.constant 0 : i32
    %dma_wait3A_245 = arith.constant 0 : i32
    %dma_wait3A_246 = arith.constant 0 : i32
    %dma_wait3A_247 = tpu.memref_slice %arg10[%dma_wait3A_243, %dma_wait3A_245, %dma_wait3A_246] : memref<4x64x128xf32, #tpu.memory_space<vmem>> -> memref<1x64x128xf32, #tpu.memory_space<vmem>>
    %dma_wait3A_248 = tpu.memref_squeeze %dma_wait3A_247 : memref<1x64x128xf32, #tpu.memory_space<vmem>> -> memref<64x128xf32, #tpu.memory_space<vmem>>
    %dma_wait3A_249 = arith.constant 0 : i32
    %dma_wait3A_250 = tpu.memref_slice %arg6[%dma_wait3A_242, %dma_wait3A_249] : memref<2x64xi32, #tpu.memory_space<vmem>> -> memref<1x64xi32, #tpu.memory_space<vmem>>
    %dma_wait3A_251 = tpu.memref_squeeze %dma_wait3A_250 : memref<1x64xi32, #tpu.memory_space<vmem>> -> memref<64xi32, #tpu.memory_space<vmem>>
    %dma_wait3A_252 = arith.constant 0 : i32
    %dma_wait3A_253 = arith.constant 0 : i32
    %dma_wait3A_254 = tpu.memref_slice %arg2[%dma_wait3A_252, %dma_wait3A_253] : memref<20000x128xf32, #tpu.memory_space<hbm>> -> memref<20000x128xf32, #tpu.memory_space<hbm>>
    %dma_wait3A_255 = tpu.memref_slice %arg12[%dma_wait3A_244] : memref<4x!tpu.dma_semaphore, #tpu.memory_space<semaphore_mem>> -> memref<1x!tpu.dma_semaphore, #tpu.memory_space<semaphore_mem>>
    %dma_wait3A_256 = tpu.memref_squeeze %dma_wait3A_255 : memref<1x!tpu.dma_semaphore, #tpu.memory_space<semaphore_mem>> -> memref<!tpu.dma_semaphore, #tpu.memory_space<semaphore_mem>>
    tpu.wait_indirect_dma semaphore(%dma_wait3A_256 : memref<!tpu.dma_semaphore, #tpu.memory_space<semaphore_mem>>) src(%dma_wait3A_254 : memref<20000x128xf32, #tpu.memory_space<hbm>>) dst(%dma_wait3A_248 : memref<64x128xf32, #tpu.memory_space<vmem>>)
    %dma_start3A_257 = arith.constant 0 : i32
    %dma_start3A_258 = arith.constant 1 : i32
    %dma_start3A_259 = arith.constant 0 : i32
    %dma_start3A_260 = arith.constant 0 : i32
    %dma_start3A_261 = arith.constant 0 : i32
    %dma_start3A_262 = tpu.memref_slice %arg10[%dma_start3A_257, %dma_start3A_260, %dma_start3A_261] : memref<4x64x128xf32, #tpu.memory_space<vmem>> -> memref<1x64x128xf32, #tpu.memory_space<vmem>>
    %dma_start3A_263 = tpu.memref_squeeze %dma_start3A_262 : memref<1x64x128xf32, #tpu.memory_space<vmem>> -> memref<64x128xf32, #tpu.memory_space<vmem>>
    %dma_start3A_264 = arith.constant 0 : i32
    %dma_start3A_265 = tpu.memref_slice %arg6[%dma_start3A_258, %dma_start3A_264] : memref<2x64xi32, #tpu.memory_space<vmem>> -> memref<1x64xi32, #tpu.memory_space<vmem>>
    %dma_start3A_266 = tpu.memref_squeeze %dma_start3A_265 : memref<1x64xi32, #tpu.memory_space<vmem>> -> memref<64xi32, #tpu.memory_space<vmem>>
    %dma_start3A_267 = arith.constant 0 : i32
    %dma_start3A_268 = arith.constant 0 : i32
    %dma_start3A_269 = tpu.memref_slice %arg11[%dma_start3A_267, %dma_start3A_268] : memref<10008x128xf32, #tpu.memory_space<vmem_shared>> -> memref<10008x128xf32, #tpu.memory_space<vmem_shared>>
    %dma_start3A_270 = tpu.memref_slice %arg13[%dma_start3A_259] : memref<4x!tpu.dma_semaphore, #tpu.memory_space<semaphore_mem>> -> memref<1x!tpu.dma_semaphore, #tpu.memory_space<semaphore_mem>>
    %dma_start3A_271 = tpu.memref_squeeze %dma_start3A_270 : memref<1x!tpu.dma_semaphore, #tpu.memory_space<semaphore_mem>> -> memref<!tpu.dma_semaphore, #tpu.memory_space<semaphore_mem>>
    tpu.enqueue_indirect_dma source(%dma_start3A_263 : memref<64x128xf32, #tpu.memory_space<vmem>>) target(%dma_start3A_269 : memref<10008x128xf32, #tpu.memory_space<vmem_shared>>) offsets(%dma_start3A_266 : memref<64xi32, #tpu.memory_space<vmem>>) semaphore(%dma_start3A_271 : memref<!tpu.dma_semaphore, #tpu.memory_space<semaphore_mem>>) {add = true}
    %dma_wait3A_272 = arith.constant 0 : i32
    %dma_wait3A_273 = arith.constant 1 : i32
    %dma_wait3A_274 = arith.constant 0 : i32
    %dma_wait3A_275 = arith.constant 0 : i32
    %dma_wait3A_276 = arith.constant 0 : i32
    %dma_wait3A_277 = tpu.memref_slice %arg10[%dma_wait3A_272, %dma_wait3A_275, %dma_wait3A_276] : memref<4x64x128xf32, #tpu.memory_space<vmem>> -> memref<1x64x128xf32, #tpu.memory_space<vmem>>
    %dma_wait3A_278 = tpu.memref_squeeze %dma_wait3A_277 : memref<1x64x128xf32, #tpu.memory_space<vmem>> -> memref<64x128xf32, #tpu.memory_space<vmem>>
    %dma_wait3A_279 = arith.constant 0 : i32
    %dma_wait3A_280 = tpu.memref_slice %arg6[%dma_wait3A_273, %dma_wait3A_279] : memref<2x64xi32, #tpu.memory_space<vmem>> -> memref<1x64xi32, #tpu.memory_space<vmem>>
    %dma_wait3A_281 = tpu.memref_squeeze %dma_wait3A_280 : memref<1x64xi32, #tpu.memory_space<vmem>> -> memref<64xi32, #tpu.memory_space<vmem>>
    %dma_wait3A_282 = arith.constant 0 : i32
    %dma_wait3A_283 = arith.constant 0 : i32
    %dma_wait3A_284 = tpu.memref_slice %arg11[%dma_wait3A_282, %dma_wait3A_283] : memref<10008x128xf32, #tpu.memory_space<vmem_shared>> -> memref<10008x128xf32, #tpu.memory_space<vmem_shared>>
    %dma_wait3A_285 = tpu.memref_slice %arg13[%dma_wait3A_274] : memref<4x!tpu.dma_semaphore, #tpu.memory_space<semaphore_mem>> -> memref<1x!tpu.dma_semaphore, #tpu.memory_space<semaphore_mem>>
    %dma_wait3A_286 = tpu.memref_squeeze %dma_wait3A_285 : memref<1x!tpu.dma_semaphore, #tpu.memory_space<semaphore_mem>> -> memref<!tpu.dma_semaphore, #tpu.memory_space<semaphore_mem>>
    tpu.wait_indirect_dma semaphore(%dma_wait3A_286 : memref<!tpu.dma_semaphore, #tpu.memory_space<semaphore_mem>>) src(%dma_wait3A_278 : memref<64x128xf32, #tpu.memory_space<vmem>>) dst(%dma_wait3A_284 : memref<10008x128xf32, #tpu.memory_space<vmem_shared>>)
    %mul3A_287 = arith.constant 160 : i32
    %mul3A_288 = arith.muli %arg1, %mul3A_287 : i32
    %add3A_289 = arith.constant 4 : i32
    %add3A_290 = arith.addi %mul3A_288, %add3A_289 : i32
    %dma_start3A_291 = arith.constant 0 : i32
    %dma_start3A_292 = arith.constant 0 : i32
    %dma_start3A_293 = arith.constant 0 : i32
    %dma_start3A_294 = tpu.memref_slice %arg3[%arg0, %add3A_290, %dma_start3A_292, %dma_start3A_293] : memref<2x2560x2x64xi32, #tpu.memory_space<hbm>> -> memref<1x1x2x64xi32, #tpu.memory_space<hbm>>
    %dma_start3A_295 = tpu.memref_squeeze %dma_start3A_294 : memref<1x1x2x64xi32, #tpu.memory_space<hbm>> -> memref<2x64xi32, #tpu.memory_space<hbm>>
    %dma_start3A_296 = tpu.memref_slice %arg14[%dma_start3A_291] : memref<4x!tpu.dma_semaphore, #tpu.memory_space<semaphore_mem>> -> memref<1x!tpu.dma_semaphore, #tpu.memory_space<semaphore_mem>>
    %dma_start3A_297 = tpu.memref_squeeze %dma_start3A_296 : memref<1x!tpu.dma_semaphore, #tpu.memory_space<semaphore_mem>> -> memref<!tpu.dma_semaphore, #tpu.memory_space<semaphore_mem>>
    %dma_start3A_298 = arith.constant 0 : i32
    %dma_start3A_299 = arith.constant 0 : i32
    %dma_start3A_300 = tpu.memref_slice %arg3[%arg0, %add3A_290, %dma_start3A_298, %dma_start3A_299] : memref<2x2560x2x64xi32, #tpu.memory_space<hbm>> -> memref<1x1x2x64xi32, #tpu.memory_space<hbm>>
    %dma_start3A_301 = tpu.memref_squeeze %dma_start3A_300 : memref<1x1x2x64xi32, #tpu.memory_space<hbm>> -> memref<2x64xi32, #tpu.memory_space<hbm>>
    tpu.enqueue_dma source(%dma_start3A_301 : memref<2x64xi32, #tpu.memory_space<hbm>>) target(%arg6 : memref<2x64xi32, #tpu.memory_space<vmem>>) target_semaphore(%dma_start3A_297 : memref<!tpu.dma_semaphore, #tpu.memory_space<semaphore_mem>>)
    %mul3A_302 = arith.constant 160 : i32
    %mul3A_303 = arith.muli %arg1, %mul3A_302 : i32
    %add3A_304 = arith.constant 3 : i32
    %add3A_305 = arith.addi %mul3A_303, %add3A_304 : i32
    %dma_wait3A_306 = arith.constant 3 : i32
    %dma_wait3A_307 = arith.constant 0 : i32
    %dma_wait3A_308 = arith.constant 0 : i32
    %dma_wait3A_309 = tpu.memref_slice %arg3[%arg0, %add3A_305, %dma_wait3A_307, %dma_wait3A_308] : memref<2x2560x2x64xi32, #tpu.memory_space<hbm>> -> memref<1x1x2x64xi32, #tpu.memory_space<hbm>>
    %dma_wait3A_310 = tpu.memref_squeeze %dma_wait3A_309 : memref<1x1x2x64xi32, #tpu.memory_space<hbm>> -> memref<2x64xi32, #tpu.memory_space<hbm>>
    %dma_wait3A_311 = tpu.memref_slice %arg14[%dma_wait3A_306] : memref<4x!tpu.dma_semaphore, #tpu.memory_space<semaphore_mem>> -> memref<1x!tpu.dma_semaphore, #tpu.memory_space<semaphore_mem>>
    %dma_wait3A_312 = tpu.memref_squeeze %dma_wait3A_311 : memref<1x!tpu.dma_semaphore, #tpu.memory_space<semaphore_mem>> -> memref<!tpu.dma_semaphore, #tpu.memory_space<semaphore_mem>>
    %dma_wait3A_313 = arith.constant 0 : i32
    %dma_wait3A_314 = arith.constant 0 : i32
    %dma_wait3A_315 = tpu.memref_slice %arg3[%arg0, %add3A_305, %dma_wait3A_313, %dma_wait3A_314] : memref<2x2560x2x64xi32, #tpu.memory_space<hbm>> -> memref<1x1x2x64xi32, #tpu.memory_space<hbm>>
    %dma_wait3A_316 = tpu.memref_squeeze %dma_wait3A_315 : memref<1x1x2x64xi32, #tpu.memory_space<hbm>> -> memref<2x64xi32, #tpu.memory_space<hbm>>
    tpu.wait_dma2 semaphore(%dma_wait3A_312 : memref<!tpu.dma_semaphore, #tpu.memory_space<semaphore_mem>>) src(%dma_wait3A_316 : memref<2x64xi32, #tpu.memory_space<hbm>>) dst(%arg9 : memref<2x64xi32, #tpu.memory_space<vmem>>)
    %dma_start3A_317 = arith.constant 0 : i32
    %dma_start3A_318 = arith.constant 3 : i32
    %dma_start3A_319 = arith.constant 3 : i32
    %dma_start3A_320 = arith.constant 0 : i32
    %dma_start3A_321 = arith.constant 0 : i32
    %dma_start3A_322 = tpu.memref_slice %arg10[%dma_start3A_318, %dma_start3A_320, %dma_start3A_321] : memref<4x64x128xf32, #tpu.memory_space<vmem>> -> memref<1x64x128xf32, #tpu.memory_space<vmem>>
    %dma_start3A_323 = tpu.memref_squeeze %dma_start3A_322 : memref<1x64x128xf32, #tpu.memory_space<vmem>> -> memref<64x128xf32, #tpu.memory_space<vmem>>
    %dma_start3A_324 = arith.constant 0 : i32
    %dma_start3A_325 = tpu.memref_slice %arg9[%dma_start3A_317, %dma_start3A_324] : memref<2x64xi32, #tpu.memory_space<vmem>> -> memref<1x64xi32, #tpu.memory_space<vmem>>
    %dma_start3A_326 = tpu.memref_squeeze %dma_start3A_325 : memref<1x64xi32, #tpu.memory_space<vmem>> -> memref<64xi32, #tpu.memory_space<vmem>>
    %dma_start3A_327 = arith.constant 0 : i32
    %dma_start3A_328 = arith.constant 0 : i32
    %dma_start3A_329 = tpu.memref_slice %arg2[%dma_start3A_327, %dma_start3A_328] : memref<20000x128xf32, #tpu.memory_space<hbm>> -> memref<20000x128xf32, #tpu.memory_space<hbm>>
    %dma_start3A_330 = tpu.memref_slice %arg12[%dma_start3A_319] : memref<4x!tpu.dma_semaphore, #tpu.memory_space<semaphore_mem>> -> memref<1x!tpu.dma_semaphore, #tpu.memory_space<semaphore_mem>>
    %dma_start3A_331 = tpu.memref_squeeze %dma_start3A_330 : memref<1x!tpu.dma_semaphore, #tpu.memory_space<semaphore_mem>> -> memref<!tpu.dma_semaphore, #tpu.memory_space<semaphore_mem>>
    tpu.enqueue_indirect_dma source(%dma_start3A_329 : memref<20000x128xf32, #tpu.memory_space<hbm>>) target(%dma_start3A_323 : memref<64x128xf32, #tpu.memory_space<vmem>>) offsets(%dma_start3A_326 : memref<64xi32, #tpu.memory_space<vmem>>) semaphore(%dma_start3A_331 : memref<!tpu.dma_semaphore, #tpu.memory_space<semaphore_mem>>)
    %dma_wait3A_332 = arith.constant 0 : i32
    %dma_wait3A_333 = arith.constant 1 : i32
    %dma_wait3A_334 = arith.constant 1 : i32
    %dma_wait3A_335 = arith.constant 0 : i32
    %dma_wait3A_336 = arith.constant 0 : i32
    %dma_wait3A_337 = tpu.memref_slice %arg10[%dma_wait3A_333, %dma_wait3A_335, %dma_wait3A_336] : memref<4x64x128xf32, #tpu.memory_space<vmem>> -> memref<1x64x128xf32, #tpu.memory_space<vmem>>
    %dma_wait3A_338 = tpu.memref_squeeze %dma_wait3A_337 : memref<1x64x128xf32, #tpu.memory_space<vmem>> -> memref<64x128xf32, #tpu.memory_space<vmem>>
    %dma_wait3A_339 = arith.constant 0 : i32
    %dma_wait3A_340 = tpu.memref_slice %arg7[%dma_wait3A_332, %dma_wait3A_339] : memref<2x64xi32, #tpu.memory_space<vmem>> -> memref<1x64xi32, #tpu.memory_space<vmem>>
    %dma_wait3A_341 = tpu.memref_squeeze %dma_wait3A_340 : memref<1x64xi32, #tpu.memory_space<vmem>> -> memref<64xi32, #tpu.memory_space<vmem>>
    %dma_wait3A_342 = arith.constant 0 : i32
    %dma_wait3A_343 = arith.constant 0 : i32
    %dma_wait3A_344 = tpu.memref_slice %arg2[%dma_wait3A_342, %dma_wait3A_343] : memref<20000x128xf32, #tpu.memory_space<hbm>> -> memref<20000x128xf32, #tpu.memory_space<hbm>>
    %dma_wait3A_345 = tpu.memref_slice %arg12[%dma_wait3A_334] : memref<4x!tpu.dma_semaphore, #tpu.memory_space<semaphore_mem>> -> memref<1x!tpu.dma_semaphore, #tpu.memory_space<semaphore_mem>>
    %dma_wait3A_346 = tpu.memref_squeeze %dma_wait3A_345 : memref<1x!tpu.dma_semaphore, #tpu.memory_space<semaphore_mem>> -> memref<!tpu.dma_semaphore, #tpu.memory_space<semaphore_mem>>
    tpu.wait_indirect_dma semaphore(%dma_wait3A_346 : memref<!tpu.dma_semaphore, #tpu.memory_space<semaphore_mem>>) src(%dma_wait3A_344 : memref<20000x128xf32, #tpu.memory_space<hbm>>) dst(%dma_wait3A_338 : memref<64x128xf32, #tpu.memory_space<vmem>>)
    %dma_start3A_347 = arith.constant 1 : i32
    %dma_start3A_348 = arith.constant 1 : i32
    %dma_start3A_349 = arith.constant 1 : i32
    %dma_start3A_350 = arith.constant 0 : i32
    %dma_start3A_351 = arith.constant 0 : i32
    %dma_start3A_352 = tpu.memref_slice %arg10[%dma_start3A_347, %dma_start3A_350, %dma_start3A_351] : memref<4x64x128xf32, #tpu.memory_space<vmem>> -> memref<1x64x128xf32, #tpu.memory_space<vmem>>
    %dma_start3A_353 = tpu.memref_squeeze %dma_start3A_352 : memref<1x64x128xf32, #tpu.memory_space<vmem>> -> memref<64x128xf32, #tpu.memory_space<vmem>>
    %dma_start3A_354 = arith.constant 0 : i32
    %dma_start3A_355 = tpu.memref_slice %arg7[%dma_start3A_348, %dma_start3A_354] : memref<2x64xi32, #tpu.memory_space<vmem>> -> memref<1x64xi32, #tpu.memory_space<vmem>>
    %dma_start3A_356 = tpu.memref_squeeze %dma_start3A_355 : memref<1x64xi32, #tpu.memory_space<vmem>> -> memref<64xi32, #tpu.memory_space<vmem>>
    %dma_start3A_357 = arith.constant 0 : i32
    %dma_start3A_358 = arith.constant 0 : i32
    %dma_start3A_359 = tpu.memref_slice %arg11[%dma_start3A_357, %dma_start3A_358] : memref<10008x128xf32, #tpu.memory_space<vmem_shared>> -> memref<10008x128xf32, #tpu.memory_space<vmem_shared>>
    %dma_start3A_360 = tpu.memref_slice %arg13[%dma_start3A_349] : memref<4x!tpu.dma_semaphore, #tpu.memory_space<semaphore_mem>> -> memref<1x!tpu.dma_semaphore, #tpu.memory_space<semaphore_mem>>
    %dma_start3A_361 = tpu.memref_squeeze %dma_start3A_360 : memref<1x!tpu.dma_semaphore, #tpu.memory_space<semaphore_mem>> -> memref<!tpu.dma_semaphore, #tpu.memory_space<semaphore_mem>>
    tpu.enqueue_indirect_dma source(%dma_start3A_353 : memref<64x128xf32, #tpu.memory_space<vmem>>) target(%dma_start3A_359 : memref<10008x128xf32, #tpu.memory_space<vmem_shared>>) offsets(%dma_start3A_356 : memref<64xi32, #tpu.memory_space<vmem>>) semaphore(%dma_start3A_361 : memref<!tpu.dma_semaphore, #tpu.memory_space<semaphore_mem>>) {add = true}
    %dma_wait3A_362 = arith.constant 1 : i32
    %dma_wait3A_363 = arith.constant 1 : i32
    %dma_wait3A_364 = arith.constant 1 : i32
    %dma_wait3A_365 = arith.constant 0 : i32
    %dma_wait3A_366 = arith.constant 0 : i32
    %dma_wait3A_367 = tpu.memref_slice %arg10[%dma_wait3A_362, %dma_wait3A_365, %dma_wait3A_366] : memref<4x64x128xf32, #tpu.memory_space<vmem>> -> memref<1x64x128xf32, #tpu.memory_space<vmem>>
    %dma_wait3A_368 = tpu.memref_squeeze %dma_wait3A_367 : memref<1x64x128xf32, #tpu.memory_space<vmem>> -> memref<64x128xf32, #tpu.memory_space<vmem>>
    %dma_wait3A_369 = arith.constant 0 : i32
    %dma_wait3A_370 = tpu.memref_slice %arg7[%dma_wait3A_363, %dma_wait3A_369] : memref<2x64xi32, #tpu.memory_space<vmem>> -> memref<1x64xi32, #tpu.memory_space<vmem>>
    %dma_wait3A_371 = tpu.memref_squeeze %dma_wait3A_370 : memref<1x64xi32, #tpu.memory_space<vmem>> -> memref<64xi32, #tpu.memory_space<vmem>>
    %dma_wait3A_372 = arith.constant 0 : i32
    %dma_wait3A_373 = arith.constant 0 : i32
    %dma_wait3A_374 = tpu.memref_slice %arg11[%dma_wait3A_372, %dma_wait3A_373] : memref<10008x128xf32, #tpu.memory_space<vmem_shared>> -> memref<10008x128xf32, #tpu.memory_space<vmem_shared>>
    %dma_wait3A_375 = tpu.memref_slice %arg13[%dma_wait3A_364] : memref<4x!tpu.dma_semaphore, #tpu.memory_space<semaphore_mem>> -> memref<1x!tpu.dma_semaphore, #tpu.memory_space<semaphore_mem>>
    %dma_wait3A_376 = tpu.memref_squeeze %dma_wait3A_375 : memref<1x!tpu.dma_semaphore, #tpu.memory_space<semaphore_mem>> -> memref<!tpu.dma_semaphore, #tpu.memory_space<semaphore_mem>>
    tpu.wait_indirect_dma semaphore(%dma_wait3A_376 : memref<!tpu.dma_semaphore, #tpu.memory_space<semaphore_mem>>) src(%dma_wait3A_368 : memref<64x128xf32, #tpu.memory_space<vmem>>) dst(%dma_wait3A_374 : memref<10008x128xf32, #tpu.memory_space<vmem_shared>>)
    %mul3A_377 = arith.constant 160 : i32
    %mul3A_378 = arith.muli %arg1, %mul3A_377 : i32
    %add3A_379 = arith.constant 5 : i32
    %add3A_380 = arith.addi %mul3A_378, %add3A_379 : i32
    %dma_start3A_381 = arith.constant 1 : i32
    %dma_start3A_382 = arith.constant 0 : i32
    %dma_start3A_383 = arith.constant 0 : i32
    %dma_start3A_384 = tpu.memref_slice %arg3[%arg0, %add3A_380, %dma_start3A_382, %dma_start3A_383] : memref<2x2560x2x64xi32, #tpu.memory_space<hbm>> -> memref<1x1x2x64xi32, #tpu.memory_space<hbm>>
    %dma_start3A_385 = tpu.memref_squeeze %dma_start3A_384 : memref<1x1x2x64xi32, #tpu.memory_space<hbm>> -> memref<2x64xi32, #tpu.memory_space<hbm>>
    %dma_start3A_386 = tpu.memref_slice %arg14[%dma_start3A_381] : memref<4x!tpu.dma_semaphore, #tpu.memory_space<semaphore_mem>> -> memref<1x!tpu.dma_semaphore, #tpu.memory_space<semaphore_mem>>
    %dma_start3A_387 = tpu.memref_squeeze %dma_start3A_386 : memref<1x!tpu.dma_semaphore, #tpu.memory_space<semaphore_mem>> -> memref<!tpu.dma_semaphore, #tpu.memory_space<semaphore_mem>>
    %dma_start3A_388 = arith.constant 0 : i32
    %dma_start3A_389 = arith.constant 0 : i32
    %dma_start3A_390 = tpu.memref_slice %arg3[%arg0, %add3A_380, %dma_start3A_388, %dma_start3A_389] : memref<2x2560x2x64xi32, #tpu.memory_space<hbm>> -> memref<1x1x2x64xi32, #tpu.memory_space<hbm>>
    %dma_start3A_391 = tpu.memref_squeeze %dma_start3A_390 : memref<1x1x2x64xi32, #tpu.memory_space<hbm>> -> memref<2x64xi32, #tpu.memory_space<hbm>>
    tpu.enqueue_dma source(%dma_start3A_391 : memref<2x64xi32, #tpu.memory_space<hbm>>) target(%arg7 : memref<2x64xi32, #tpu.memory_space<vmem>>) target_semaphore(%dma_start3A_387 : memref<!tpu.dma_semaphore, #tpu.memory_space<semaphore_mem>>)
    %mul3A_392 = arith.constant 160 : i32
    %mul3A_393 = arith.muli %arg1, %mul3A_392 : i32
    %add3A_394 = arith.constant 4 : i32
    %add3A_395 = arith.addi %mul3A_393, %add3A_394 : i32
    %dma_wait3A_396 = arith.constant 0 : i32
    %dma_wait3A_397 = arith.constant 0 : i32
    %dma_wait3A_398 = arith.constant 0 : i32
    %dma_wait3A_399 = tpu.memref_slice %arg3[%arg0, %add3A_395, %dma_wait3A_397, %dma_wait3A_398] : memref<2x2560x2x64xi32, #tpu.memory_space<hbm>> -> memref<1x1x2x64xi32, #tpu.memory_space<hbm>>
    %dma_wait3A_400 = tpu.memref_squeeze %dma_wait3A_399 : memref<1x1x2x64xi32, #tpu.memory_space<hbm>> -> memref<2x64xi32, #tpu.memory_space<hbm>>
    %dma_wait3A_401 = tpu.memref_slice %arg14[%dma_wait3A_396] : memref<4x!tpu.dma_semaphore, #tpu.memory_space<semaphore_mem>> -> memref<1x!tpu.dma_semaphore, #tpu.memory_space<semaphore_mem>>
    %dma_wait3A_402 = tpu.memref_squeeze %dma_wait3A_401 : memref<1x!tpu.dma_semaphore, #tpu.memory_space<semaphore_mem>> -> memref<!tpu.dma_semaphore, #tpu.memory_space<semaphore_mem>>
    %dma_wait3A_403 = arith.constant 0 : i32
    %dma_wait3A_404 = arith.constant 0 : i32
    %dma_wait3A_405 = tpu.memref_slice %arg3[%arg0, %add3A_395, %dma_wait3A_403, %dma_wait3A_404] : memref<2x2560x2x64xi32, #tpu.memory_space<hbm>> -> memref<1x1x2x64xi32, #tpu.memory_space<hbm>>
    %dma_wait3A_406 = tpu.memref_squeeze %dma_wait3A_405 : memref<1x1x2x64xi32, #tpu.memory_space<hbm>> -> memref<2x64xi32, #tpu.memory_space<hbm>>
    tpu.wait_dma2 semaphore(%dma_wait3A_402 : memref<!tpu.dma_semaphore, #tpu.memory_space<semaphore_mem>>) src(%dma_wait3A_406 : memref<2x64xi32, #tpu.memory_space<hbm>>) dst(%arg6 : memref<2x64xi32, #tpu.memory_space<vmem>>)
    %dma_start3A_407 = arith.constant 0 : i32
    %dma_start3A_408 = arith.constant 0 : i32
    %dma_start3A_409 = arith.constant 0 : i32
    %dma_start3A_410 = arith.constant 0 : i32
    %dma_start3A_411 = arith.constant 0 : i32
    %dma_start3A_412 = tpu.memref_slice %arg10[%dma_start3A_408, %dma_start3A_410, %dma_start3A_411] : memref<4x64x128xf32, #tpu.memory_space<vmem>> -> memref<1x64x128xf32, #tpu.memory_space<vmem>>
    %dma_start3A_413 = tpu.memref_squeeze %dma_start3A_412 : memref<1x64x128xf32, #tpu.memory_space<vmem>> -> memref<64x128xf32, #tpu.memory_space<vmem>>
    %dma_start3A_414 = arith.constant 0 : i32
    %dma_start3A_415 = tpu.memref_slice %arg6[%dma_start3A_407, %dma_start3A_414] : memref<2x64xi32, #tpu.memory_space<vmem>> -> memref<1x64xi32, #tpu.memory_space<vmem>>
    %dma_start3A_416 = tpu.memref_squeeze %dma_start3A_415 : memref<1x64xi32, #tpu.memory_space<vmem>> -> memref<64xi32, #tpu.memory_space<vmem>>
    %dma_start3A_417 = arith.constant 0 : i32
    %dma_start3A_418 = arith.constant 0 : i32
    %dma_start3A_419 = tpu.memref_slice %arg2[%dma_start3A_417, %dma_start3A_418] : memref<20000x128xf32, #tpu.memory_space<hbm>> -> memref<20000x128xf32, #tpu.memory_space<hbm>>
    %dma_start3A_420 = tpu.memref_slice %arg12[%dma_start3A_409] : memref<4x!tpu.dma_semaphore, #tpu.memory_space<semaphore_mem>> -> memref<1x!tpu.dma_semaphore, #tpu.memory_space<semaphore_mem>>
    %dma_start3A_421 = tpu.memref_squeeze %dma_start3A_420 : memref<1x!tpu.dma_semaphore, #tpu.memory_space<semaphore_mem>> -> memref<!tpu.dma_semaphore, #tpu.memory_space<semaphore_mem>>
    tpu.enqueue_indirect_dma source(%dma_start3A_419 : memref<20000x128xf32, #tpu.memory_space<hbm>>) target(%dma_start3A_413 : memref<64x128xf32, #tpu.memory_space<vmem>>) offsets(%dma_start3A_416 : memref<64xi32, #tpu.memory_space<vmem>>) semaphore(%dma_start3A_421 : memref<!tpu.dma_semaphore, #tpu.memory_space<semaphore_mem>>)
    %dma_wait3A_422 = arith.constant 0 : i32
    %dma_wait3A_423 = arith.constant 2 : i32
    %dma_wait3A_424 = arith.constant 2 : i32
    %dma_wait3A_425 = arith.constant 0 : i32
    %dma_wait3A_426 = arith.constant 0 : i32
    %dma_wait3A_427 = tpu.memref_slice %arg10[%dma_wait3A_423, %dma_wait3A_425, %dma_wait3A_426] : memref<4x64x128xf32, #tpu.memory_space<vmem>> -> memref<1x64x128xf32, #tpu.memory_space<vmem>>
    %dma_wait3A_428 = tpu.memref_squeeze %dma_wait3A_427 : memref<1x64x128xf32, #tpu.memory_space<vmem>> -> memref<64x128xf32, #tpu.memory_space<vmem>>
    %dma_wait3A_429 = arith.constant 0 : i32
    %dma_wait3A_430 = tpu.memref_slice %arg8[%dma_wait3A_422, %dma_wait3A_429] : memref<2x64xi32, #tpu.memory_space<vmem>> -> memref<1x64xi32, #tpu.memory_space<vmem>>
    %dma_wait3A_431 = tpu.memref_squeeze %dma_wait3A_430 : memref<1x64xi32, #tpu.memory_space<vmem>> -> memref<64xi32, #tpu.memory_space<vmem>>
    %dma_wait3A_432 = arith.constant 0 : i32
    %dma_wait3A_433 = arith.constant 0 : i32
    %dma_wait3A_434 = tpu.memref_slice %arg2[%dma_wait3A_432, %dma_wait3A_433] : memref<20000x128xf32, #tpu.memory_space<hbm>> -> memref<20000x128xf32, #tpu.memory_space<hbm>>
    %dma_wait3A_435 = tpu.memref_slice %arg12[%dma_wait3A_424] : memref<4x!tpu.dma_semaphore, #tpu.memory_space<semaphore_mem>> -> memref<1x!tpu.dma_semaphore, #tpu.memory_space<semaphore_mem>>
    %dma_wait3A_436 = tpu.memref_squeeze %dma_wait3A_435 : memref<1x!tpu.dma_semaphore, #tpu.memory_space<semaphore_mem>> -> memref<!tpu.dma_semaphore, #tpu.memory_space<semaphore_mem>>
    tpu.wait_indirect_dma semaphore(%dma_wait3A_436 : memref<!tpu.dma_semaphore, #tpu.memory_space<semaphore_mem>>) src(%dma_wait3A_434 : memref<20000x128xf32, #tpu.memory_space<hbm>>) dst(%dma_wait3A_428 : memref<64x128xf32, #tpu.memory_space<vmem>>)
    %dma_start3A_437 = arith.constant 2 : i32
    %dma_start3A_438 = arith.constant 1 : i32
    %dma_start3A_439 = arith.constant 2 : i32
    %dma_start3A_440 = arith.constant 0 : i32
    %dma_start3A_441 = arith.constant 0 : i32
    %dma_start3A_442 = tpu.memref_slice %arg10[%dma_start3A_437, %dma_start3A_440, %dma_start3A_441] : memref<4x64x128xf32, #tpu.memory_space<vmem>> -> memref<1x64x128xf32, #tpu.memory_space<vmem>>
    %dma_start3A_443 = tpu.memref_squeeze %dma_start3A_442 : memref<1x64x128xf32, #tpu.memory_space<vmem>> -> memref<64x128xf32, #tpu.memory_space<vmem>>
    %dma_start3A_444 = arith.constant 0 : i32
    %dma_start3A_445 = tpu.memref_slice %arg8[%dma_start3A_438, %dma_start3A_444] : memref<2x64xi32, #tpu.memory_space<vmem>> -> memref<1x64xi32, #tpu.memory_space<vmem>>
    %dma_start3A_446 = tpu.memref_squeeze %dma_start3A_445 : memref<1x64xi32, #tpu.memory_space<vmem>> -> memref<64xi32, #tpu.memory_space<vmem>>
    %dma_start3A_447 = arith.constant 0 : i32
    %dma_start3A_448 = arith.constant 0 : i32
    %dma_start3A_449 = tpu.memref_slice %arg11[%dma_start3A_447, %dma_start3A_448] : memref<10008x128xf32, #tpu.memory_space<vmem_shared>> -> memref<10008x128xf32, #tpu.memory_space<vmem_shared>>
    %dma_start3A_450 = tpu.memref_slice %arg13[%dma_start3A_439] : memref<4x!tpu.dma_semaphore, #tpu.memory_space<semaphore_mem>> -> memref<1x!tpu.dma_semaphore, #tpu.memory_space<semaphore_mem>>
    %dma_start3A_451 = tpu.memref_squeeze %dma_start3A_450 : memref<1x!tpu.dma_semaphore, #tpu.memory_space<semaphore_mem>> -> memref<!tpu.dma_semaphore, #tpu.memory_space<semaphore_mem>>
    tpu.enqueue_indirect_dma source(%dma_start3A_443 : memref<64x128xf32, #tpu.memory_space<vmem>>) target(%dma_start3A_449 : memref<10008x128xf32, #tpu.memory_space<vmem_shared>>) offsets(%dma_start3A_446 : memref<64xi32, #tpu.memory_space<vmem>>) semaphore(%dma_start3A_451 : memref<!tpu.dma_semaphore, #tpu.memory_space<semaphore_mem>>) {add = true}
    %dma_wait3A_452 = arith.constant 2 : i32
    %dma_wait3A_453 = arith.constant 1 : i32
    %dma_wait3A_454 = arith.constant 2 : i32
    %dma_wait3A_455 = arith.constant 0 : i32
    %dma_wait3A_456 = arith.constant 0 : i32
    %dma_wait3A_457 = tpu.memref_slice %arg10[%dma_wait3A_452, %dma_wait3A_455, %dma_wait3A_456] : memref<4x64x128xf32, #tpu.memory_space<vmem>> -> memref<1x64x128xf32, #tpu.memory_space<vmem>>
    %dma_wait3A_458 = tpu.memref_squeeze %dma_wait3A_457 : memref<1x64x128xf32, #tpu.memory_space<vmem>> -> memref<64x128xf32, #tpu.memory_space<vmem>>
    %dma_wait3A_459 = arith.constant 0 : i32
    %dma_wait3A_460 = tpu.memref_slice %arg8[%dma_wait3A_453, %dma_wait3A_459] : memref<2x64xi32, #tpu.memory_space<vmem>> -> memref<1x64xi32, #tpu.memory_space<vmem>>
    %dma_wait3A_461 = tpu.memref_squeeze %dma_wait3A_460 : memref<1x64xi32, #tpu.memory_space<vmem>> -> memref<64xi32, #tpu.memory_space<vmem>>
    %dma_wait3A_462 = arith.constant 0 : i32
    %dma_wait3A_463 = arith.constant 0 : i32
    %dma_wait3A_464 = tpu.memref_slice %arg11[%dma_wait3A_462, %dma_wait3A_463] : memref<10008x128xf32, #tpu.memory_space<vmem_shared>> -> memref<10008x128xf32, #tpu.memory_space<vmem_shared>>
    %dma_wait3A_465 = tpu.memref_slice %arg13[%dma_wait3A_454] : memref<4x!tpu.dma_semaphore, #tpu.memory_space<semaphore_mem>> -> memref<1x!tpu.dma_semaphore, #tpu.memory_space<semaphore_mem>>
    %dma_wait3A_466 = tpu.memref_squeeze %dma_wait3A_465 : memref<1x!tpu.dma_semaphore, #tpu.memory_space<semaphore_mem>> -> memref<!tpu.dma_semaphore, #tpu.memory_space<semaphore_mem>>
    tpu.wait_indirect_dma semaphore(%dma_wait3A_466 : memref<!tpu.dma_semaphore, #tpu.memory_space<semaphore_mem>>) src(%dma_wait3A_458 : memref<64x128xf32, #tpu.memory_space<vmem>>) dst(%dma_wait3A_464 : memref<10008x128xf32, #tpu.memory_space<vmem_shared>>)
    %mul3A_467 = arith.constant 160 : i32
    %mul3A_468 = arith.muli %arg1, %mul3A_467 : i32
    %add3A_469 = arith.constant 6 : i32
    %add3A_470 = arith.addi %mul3A_468, %add3A_469 : i32
    %dma_start3A_471 = arith.constant 2 : i32
    %dma_start3A_472 = arith.constant 0 : i32
    %dma_start3A_473 = arith.constant 0 : i32
    %dma_start3A_474 = tpu.memref_slice %arg3[%arg0, %add3A_470, %dma_start3A_472, %dma_start3A_473] : memref<2x2560x2x64xi32, #tpu.memory_space<hbm>> -> memref<1x1x2x64xi32, #tpu.memory_space<hbm>>
    %dma_start3A_475 = tpu.memref_squeeze %dma_start3A_474 : memref<1x1x2x64xi32, #tpu.memory_space<hbm>> -> memref<2x64xi32, #tpu.memory_space<hbm>>
    %dma_start3A_476 = tpu.memref_slice %arg14[%dma_start3A_471] : memref<4x!tpu.dma_semaphore, #tpu.memory_space<semaphore_mem>> -> memref<1x!tpu.dma_semaphore, #tpu.memory_space<semaphore_mem>>
    %dma_start3A_477 = tpu.memref_squeeze %dma_start3A_476 : memref<1x!tpu.dma_semaphore, #tpu.memory_space<semaphore_mem>> -> memref<!tpu.dma_semaphore, #tpu.memory_space<semaphore_mem>>
    %dma_start3A_478 = arith.constant 0 : i32
    %dma_start3A_479 = arith.constant 0 : i32
    %dma_start3A_480 = tpu.memref_slice %arg3[%arg0, %add3A_470, %dma_start3A_478, %dma_start3A_479] : memref<2x2560x2x64xi32, #tpu.memory_space<hbm>> -> memref<1x1x2x64xi32, #tpu.memory_space<hbm>>
    %dma_start3A_481 = tpu.memref_squeeze %dma_start3A_480 : memref<1x1x2x64xi32, #tpu.memory_space<hbm>> -> memref<2x64xi32, #tpu.memory_space<hbm>>
    tpu.enqueue_dma source(%dma_start3A_481 : memref<2x64xi32, #tpu.memory_space<hbm>>) target(%arg8 : memref<2x64xi32, #tpu.memory_space<vmem>>) target_semaphore(%dma_start3A_477 : memref<!tpu.dma_semaphore, #tpu.memory_space<semaphore_mem>>)
    %mul3A_482 = arith.constant 160 : i32
    %mul3A_483 = arith.muli %arg1, %mul3A_482 : i32
    %add3A_484 = arith.constant 5 : i32
    %add3A_485 = arith.addi %mul3A_483, %add3A_484 : i32
    %dma_wait3A_486 = arith.constant 1 : i32
    %dma_wait3A_487 = arith.constant 0 : i32
    %dma_wait3A_488 = arith.constant 0 : i32
    %dma_wait3A_489 = tpu.memref_slice %arg3[%arg0, %add3A_485, %dma_wait3A_487, %dma_wait3A_488] : memref<2x2560x2x64xi32, #tpu.memory_space<hbm>> -> memref<1x1x2x64xi32, #tpu.memory_space<hbm>>
    %dma_wait3A_490 = tpu.memref_squeeze %dma_wait3A_489 : memref<1x1x2x64xi32, #tpu.memory_space<hbm>> -> memref<2x64xi32, #tpu.memory_space<hbm>>
    %dma_wait3A_491 = tpu.memref_slice %arg14[%dma_wait3A_486] : memref<4x!tpu.dma_semaphore, #tpu.memory_space<semaphore_mem>> -> memref<1x!tpu.dma_semaphore, #tpu.memory_space<semaphore_mem>>
    %dma_wait3A_492 = tpu.memref_squeeze %dma_wait3A_491 : memref<1x!tpu.dma_semaphore, #tpu.memory_space<semaphore_mem>> -> memref<!tpu.dma_semaphore, #tpu.memory_space<semaphore_mem>>
    %dma_wait3A_493 = arith.constant 0 : i32
    %dma_wait3A_494 = arith.constant 0 : i32
    %dma_wait3A_495 = tpu.memref_slice %arg3[%arg0, %add3A_485, %dma_wait3A_493, %dma_wait3A_494] : memref<2x2560x2x64xi32, #tpu.memory_space<hbm>> -> memref<1x1x2x64xi32, #tpu.memory_space<hbm>>
    %dma_wait3A_496 = tpu.memref_squeeze %dma_wait3A_495 : memref<1x1x2x64xi32, #tpu.memory_space<hbm>> -> memref<2x64xi32, #tpu.memory_space<hbm>>
    tpu.wait_dma2 semaphore(%dma_wait3A_492 : memref<!tpu.dma_semaphore, #tpu.memory_space<semaphore_mem>>) src(%dma_wait3A_496 : memref<2x64xi32, #tpu.memory_space<hbm>>) dst(%arg7 : memref<2x64xi32, #tpu.memory_space<vmem>>)
    %dma_start3A_497 = arith.constant 0 : i32
    %dma_start3A_498 = arith.constant 1 : i32
    %dma_start3A_499 = arith.constant 1 : i32
    %dma_start3A_500 = arith.constant 0 : i32
    %dma_start3A_501 = arith.constant 0 : i32
    %dma_start3A_502 = tpu.memref_slice %arg10[%dma_start3A_498, %dma_start3A_500, %dma_start3A_501] : memref<4x64x128xf32, #tpu.memory_space<vmem>> -> memref<1x64x128xf32, #tpu.memory_space<vmem>>
    %dma_start3A_503 = tpu.memref_squeeze %dma_start3A_502 : memref<1x64x128xf32, #tpu.memory_space<vmem>> -> memref<64x128xf32, #tpu.memory_space<vmem>>
    %dma_start3A_504 = arith.constant 0 : i32
    %dma_start3A_505 = tpu.memref_slice %arg7[%dma_start3A_497, %dma_start3A_504] : memref<2x64xi32, #tpu.memory_space<vmem>> -> memref<1x64xi32, #tpu.memory_space<vmem>>
    %dma_start3A_506 = tpu.memref_squeeze %dma_start3A_505 : memref<1x64xi32, #tpu.memory_space<vmem>> -> memref<64xi32, #tpu.memory_space<vmem>>
    %dma_start3A_507 = arith.constant 0 : i32
    %dma_start3A_508 = arith.constant 0 : i32
    %dma_start3A_509 = tpu.memref_slice %arg2[%dma_start3A_507, %dma_start3A_508] : memref<20000x128xf32, #tpu.memory_space<hbm>> -> memref<20000x128xf32, #tpu.memory_space<hbm>>
    %dma_start3A_510 = tpu.memref_slice %arg12[%dma_start3A_499] : memref<4x!tpu.dma_semaphore, #tpu.memory_space<semaphore_mem>> -> memref<1x!tpu.dma_semaphore, #tpu.memory_space<semaphore_mem>>
    %dma_start3A_511 = tpu.memref_squeeze %dma_start3A_510 : memref<1x!tpu.dma_semaphore, #tpu.memory_space<semaphore_mem>> -> memref<!tpu.dma_semaphore, #tpu.memory_space<semaphore_mem>>
    tpu.enqueue_indirect_dma source(%dma_start3A_509 : memref<20000x128xf32, #tpu.memory_space<hbm>>) target(%dma_start3A_503 : memref<64x128xf32, #tpu.memory_space<vmem>>) offsets(%dma_start3A_506 : memref<64xi32, #tpu.memory_space<vmem>>) semaphore(%dma_start3A_511 : memref<!tpu.dma_semaphore, #tpu.memory_space<semaphore_mem>>)
    %dma_wait3A_512 = arith.constant 0 : i32
    %dma_wait3A_513 = arith.constant 3 : i32
    %dma_wait3A_514 = arith.constant 3 : i32
    %dma_wait3A_515 = arith.constant 0 : i32
    %dma_wait3A_516 = arith.constant 0 : i32
    %dma_wait3A_517 = tpu.memref_slice %arg10[%dma_wait3A_513, %dma_wait3A_515, %dma_wait3A_516] : memref<4x64x128xf32, #tpu.memory_space<vmem>> -> memref<1x64x128xf32, #tpu.memory_space<vmem>>
    %dma_wait3A_518 = tpu.memref_squeeze %dma_wait3A_517 : memref<1x64x128xf32, #tpu.memory_space<vmem>> -> memref<64x128xf32, #tpu.memory_space<vmem>>
    %dma_wait3A_519 = arith.constant 0 : i32
    %dma_wait3A_520 = tpu.memref_slice %arg9[%dma_wait3A_512, %dma_wait3A_519] : memref<2x64xi32, #tpu.memory_space<vmem>> -> memref<1x64xi32, #tpu.memory_space<vmem>>
    %dma_wait3A_521 = tpu.memref_squeeze %dma_wait3A_520 : memref<1x64xi32, #tpu.memory_space<vmem>> -> memref<64xi32, #tpu.memory_space<vmem>>
    %dma_wait3A_522 = arith.constant 0 : i32
    %dma_wait3A_523 = arith.constant 0 : i32
    %dma_wait3A_524 = tpu.memref_slice %arg2[%dma_wait3A_522, %dma_wait3A_523] : memref<20000x128xf32, #tpu.memory_space<hbm>> -> memref<20000x128xf32, #tpu.memory_space<hbm>>
    %dma_wait3A_525 = tpu.memref_slice %arg12[%dma_wait3A_514] : memref<4x!tpu.dma_semaphore, #tpu.memory_space<semaphore_mem>> -> memref<1x!tpu.dma_semaphore, #tpu.memory_space<semaphore_mem>>
    %dma_wait3A_526 = tpu.memref_squeeze %dma_wait3A_525 : memref<1x!tpu.dma_semaphore, #tpu.memory_space<semaphore_mem>> -> memref<!tpu.dma_semaphore, #tpu.memory_space<semaphore_mem>>
    tpu.wait_indirect_dma semaphore(%dma_wait3A_526 : memref<!tpu.dma_semaphore, #tpu.memory_space<semaphore_mem>>) src(%dma_wait3A_524 : memref<20000x128xf32, #tpu.memory_space<hbm>>) dst(%dma_wait3A_518 : memref<64x128xf32, #tpu.memory_space<vmem>>)
    %dma_start3A_527 = arith.constant 3 : i32
    %dma_start3A_528 = arith.constant 1 : i32
    %dma_start3A_529 = arith.constant 3 : i32
    %dma_start3A_530 = arith.constant 0 : i32
    %dma_start3A_531 = arith.constant 0 : i32
    %dma_start3A_532 = tpu.memref_slice %arg10[%dma_start3A_527, %dma_start3A_530, %dma_start3A_531] : memref<4x64x128xf32, #tpu.memory_space<vmem>> -> memref<1x64x128xf32, #tpu.memory_space<vmem>>
    %dma_start3A_533 = tpu.memref_squeeze %dma_start3A_532 : memref<1x64x128xf32, #tpu.memory_space<vmem>> -> memref<64x128xf32, #tpu.memory_space<vmem>>
    %dma_start3A_534 = arith.constant 0 : i32
    %dma_start3A_535 = tpu.memref_slice %arg9[%dma_start3A_528, %dma_start3A_534] : memref<2x64xi32, #tpu.memory_space<vmem>> -> memref<1x64xi32, #tpu.memory_space<vmem>>
    %dma_start3A_536 = tpu.memref_squeeze %dma_start3A_535 : memref<1x64xi32, #tpu.memory_space<vmem>> -> memref<64xi32, #tpu.memory_space<vmem>>
    %dma_start3A_537 = arith.constant 0 : i32
    %dma_start3A_538 = arith.constant 0 : i32
    %dma_start3A_539 = tpu.memref_slice %arg11[%dma_start3A_537, %dma_start3A_538] : memref<10008x128xf32, #tpu.memory_space<vmem_shared>> -> memref<10008x128xf32, #tpu.memory_space<vmem_shared>>
    %dma_start3A_540 = tpu.memref_slice %arg13[%dma_start3A_529] : memref<4x!tpu.dma_semaphore, #tpu.memory_space<semaphore_mem>> -> memref<1x!tpu.dma_semaphore, #tpu.memory_space<semaphore_mem>>
    %dma_start3A_541 = tpu.memref_squeeze %dma_start3A_540 : memref<1x!tpu.dma_semaphore, #tpu.memory_space<semaphore_mem>> -> memref<!tpu.dma_semaphore, #tpu.memory_space<semaphore_mem>>
    tpu.enqueue_indirect_dma source(%dma_start3A_533 : memref<64x128xf32, #tpu.memory_space<vmem>>) target(%dma_start3A_539 : memref<10008x128xf32, #tpu.memory_space<vmem_shared>>) offsets(%dma_start3A_536 : memref<64xi32, #tpu.memory_space<vmem>>) semaphore(%dma_start3A_541 : memref<!tpu.dma_semaphore, #tpu.memory_space<semaphore_mem>>) {add = true}
    %scan3A = arith.constant 0 : i32
    %scan3A_542 = arith.constant 1 : i32
    %scan3A_543 = arith.constant 38 : i32
    %scan3A_544 = arith.addi %scan3A_542, %scan3A_543 : i32
    %scan3A_545 = arith.constant 1 : i32
    scf.for %scan3A_822 = %scan3A_542 to %scan3A_544 step %scan3A_545  : i32 {
      %mul3A_823 = arith.constant 4 : i32
      %mul3A_824 = arith.muli %scan3A_822, %mul3A_823 : i32
      %add3A_825 = arith.constant 0 : i32
      %add3A_826 = arith.addi %mul3A_824, %add3A_825 : i32
      %sub3A = arith.constant 1 : i32
      %sub3A_827 = arith.subi %add3A_826, %sub3A : i32
      %dma_wait3A_828 = arith.constant 3 : i32
      %dma_wait3A_829 = arith.constant 1 : i32
      %dma_wait3A_830 = arith.constant 3 : i32
      %dma_wait3A_831 = arith.constant 0 : i32
      %dma_wait3A_832 = arith.constant 0 : i32
      %dma_wait3A_833 = tpu.memref_slice %arg10[%dma_wait3A_828, %dma_wait3A_831, %dma_wait3A_832] : memref<4x64x128xf32, #tpu.memory_space<vmem>> -> memref<1x64x128xf32, #tpu.memory_space<vmem>>
      %dma_wait3A_834 = tpu.memref_squeeze %dma_wait3A_833 : memref<1x64x128xf32, #tpu.memory_space<vmem>> -> memref<64x128xf32, #tpu.memory_space<vmem>>
      %dma_wait3A_835 = arith.constant 0 : i32
      %dma_wait3A_836 = tpu.memref_slice %arg9[%dma_wait3A_829, %dma_wait3A_835] : memref<2x64xi32, #tpu.memory_space<vmem>> -> memref<1x64xi32, #tpu.memory_space<vmem>>
      %dma_wait3A_837 = tpu.memref_squeeze %dma_wait3A_836 : memref<1x64xi32, #tpu.memory_space<vmem>> -> memref<64xi32, #tpu.memory_space<vmem>>
      %dma_wait3A_838 = arith.constant 0 : i32
      %dma_wait3A_839 = arith.constant 0 : i32
      %dma_wait3A_840 = tpu.memref_slice %arg11[%dma_wait3A_838, %dma_wait3A_839] : memref<10008x128xf32, #tpu.memory_space<vmem_shared>> -> memref<10008x128xf32, #tpu.memory_space<vmem_shared>>
      %dma_wait3A_841 = tpu.memref_slice %arg13[%dma_wait3A_830] : memref<4x!tpu.dma_semaphore, #tpu.memory_space<semaphore_mem>> -> memref<1x!tpu.dma_semaphore, #tpu.memory_space<semaphore_mem>>
      %dma_wait3A_842 = tpu.memref_squeeze %dma_wait3A_841 : memref<1x!tpu.dma_semaphore, #tpu.memory_space<semaphore_mem>> -> memref<!tpu.dma_semaphore, #tpu.memory_space<semaphore_mem>>
      tpu.wait_indirect_dma semaphore(%dma_wait3A_842 : memref<!tpu.dma_semaphore, #tpu.memory_space<semaphore_mem>>) src(%dma_wait3A_834 : memref<64x128xf32, #tpu.memory_space<vmem>>) dst(%dma_wait3A_840 : memref<10008x128xf32, #tpu.memory_space<vmem_shared>>)
      %add3A_843 = arith.constant 4 : i32
      %add3A_844 = arith.addi %add3A_826, %add3A_843 : i32
      %sub3A_845 = arith.constant 1 : i32
      %sub3A_846 = arith.subi %add3A_844, %sub3A_845 : i32
      %mul3A_847 = arith.constant 160 : i32
      %mul3A_848 = arith.muli %arg1, %mul3A_847 : i32
      %add3A_849 = arith.addi %mul3A_848, %sub3A_846 : i32
      %dma_start3A_850 = arith.constant 3 : i32
      %dma_start3A_851 = arith.constant 0 : i32
      %dma_start3A_852 = arith.constant 0 : i32
      %dma_start3A_853 = tpu.memref_slice %arg3[%arg0, %add3A_849, %dma_start3A_851, %dma_start3A_852] : memref<2x2560x2x64xi32, #tpu.memory_space<hbm>> -> memref<1x1x2x64xi32, #tpu.memory_space<hbm>>
      %dma_start3A_854 = tpu.memref_squeeze %dma_start3A_853 : memref<1x1x2x64xi32, #tpu.memory_space<hbm>> -> memref<2x64xi32, #tpu.memory_space<hbm>>
      %dma_start3A_855 = tpu.memref_slice %arg14[%dma_start3A_850] : memref<4x!tpu.dma_semaphore, #tpu.memory_space<semaphore_mem>> -> memref<1x!tpu.dma_semaphore, #tpu.memory_space<semaphore_mem>>
      %dma_start3A_856 = tpu.memref_squeeze %dma_start3A_855 : memref<1x!tpu.dma_semaphore, #tpu.memory_space<semaphore_mem>> -> memref<!tpu.dma_semaphore, #tpu.memory_space<semaphore_mem>>
      %dma_start3A_857 = arith.constant 0 : i32
      %dma_start3A_858 = arith.constant 0 : i32
      %dma_start3A_859 = tpu.memref_slice %arg3[%arg0, %add3A_849, %dma_start3A_857, %dma_start3A_858] : memref<2x2560x2x64xi32, #tpu.memory_space<hbm>> -> memref<1x1x2x64xi32, #tpu.memory_space<hbm>>
      %dma_start3A_860 = tpu.memref_squeeze %dma_start3A_859 : memref<1x1x2x64xi32, #tpu.memory_space<hbm>> -> memref<2x64xi32, #tpu.memory_space<hbm>>
      tpu.enqueue_dma source(%dma_start3A_860 : memref<2x64xi32, #tpu.memory_space<hbm>>) target(%arg9 : memref<2x64xi32, #tpu.memory_space<vmem>>) target_semaphore(%dma_start3A_856 : memref<!tpu.dma_semaphore, #tpu.memory_space<semaphore_mem>>)
      %add3A_861 = arith.constant 4 : i32
      %add3A_862 = arith.addi %add3A_826, %add3A_861 : i32
      %sub3A_863 = arith.constant 2 : i32
      %sub3A_864 = arith.subi %add3A_862, %sub3A_863 : i32
      %mul3A_865 = arith.constant 160 : i32
      %mul3A_866 = arith.muli %arg1, %mul3A_865 : i32
      %add3A_867 = arith.addi %mul3A_866, %sub3A_864 : i32
      %dma_wait3A_868 = arith.constant 2 : i32
      %dma_wait3A_869 = arith.constant 0 : i32
      %dma_wait3A_870 = arith.constant 0 : i32
      %dma_wait3A_871 = tpu.memref_slice %arg3[%arg0, %add3A_867, %dma_wait3A_869, %dma_wait3A_870] : memref<2x2560x2x64xi32, #tpu.memory_space<hbm>> -> memref<1x1x2x64xi32, #tpu.memory_space<hbm>>
      %dma_wait3A_872 = tpu.memref_squeeze %dma_wait3A_871 : memref<1x1x2x64xi32, #tpu.memory_space<hbm>> -> memref<2x64xi32, #tpu.memory_space<hbm>>
      %dma_wait3A_873 = tpu.memref_slice %arg14[%dma_wait3A_868] : memref<4x!tpu.dma_semaphore, #tpu.memory_space<semaphore_mem>> -> memref<1x!tpu.dma_semaphore, #tpu.memory_space<semaphore_mem>>
      %dma_wait3A_874 = tpu.memref_squeeze %dma_wait3A_873 : memref<1x!tpu.dma_semaphore, #tpu.memory_space<semaphore_mem>> -> memref<!tpu.dma_semaphore, #tpu.memory_space<semaphore_mem>>
      %dma_wait3A_875 = arith.constant 0 : i32
      %dma_wait3A_876 = arith.constant 0 : i32
      %dma_wait3A_877 = tpu.memref_slice %arg3[%arg0, %add3A_867, %dma_wait3A_875, %dma_wait3A_876] : memref<2x2560x2x64xi32, #tpu.memory_space<hbm>> -> memref<1x1x2x64xi32, #tpu.memory_space<hbm>>
      %dma_wait3A_878 = tpu.memref_squeeze %dma_wait3A_877 : memref<1x1x2x64xi32, #tpu.memory_space<hbm>> -> memref<2x64xi32, #tpu.memory_space<hbm>>
      tpu.wait_dma2 semaphore(%dma_wait3A_874 : memref<!tpu.dma_semaphore, #tpu.memory_space<semaphore_mem>>) src(%dma_wait3A_878 : memref<2x64xi32, #tpu.memory_space<hbm>>) dst(%arg8 : memref<2x64xi32, #tpu.memory_space<vmem>>)
      %add3A_879 = arith.constant 4 : i32
      %add3A_880 = arith.addi %add3A_826, %add3A_879 : i32
      %sub3A_881 = arith.constant 2 : i32
      %sub3A_882 = arith.subi %add3A_880, %sub3A_881 : i32
      %dma_start3A_883 = arith.constant 0 : i32
      %dma_start3A_884 = arith.constant 2 : i32
      %dma_start3A_885 = arith.constant 2 : i32
      %dma_start3A_886 = arith.constant 0 : i32
      %dma_start3A_887 = arith.constant 0 : i32
      %dma_start3A_888 = tpu.memref_slice %arg10[%dma_start3A_884, %dma_start3A_886, %dma_start3A_887] : memref<4x64x128xf32, #tpu.memory_space<vmem>> -> memref<1x64x128xf32, #tpu.memory_space<vmem>>
      %dma_start3A_889 = tpu.memref_squeeze %dma_start3A_888 : memref<1x64x128xf32, #tpu.memory_space<vmem>> -> memref<64x128xf32, #tpu.memory_space<vmem>>
      %dma_start3A_890 = arith.constant 0 : i32
      %dma_start3A_891 = tpu.memref_slice %arg8[%dma_start3A_883, %dma_start3A_890] : memref<2x64xi32, #tpu.memory_space<vmem>> -> memref<1x64xi32, #tpu.memory_space<vmem>>
      %dma_start3A_892 = tpu.memref_squeeze %dma_start3A_891 : memref<1x64xi32, #tpu.memory_space<vmem>> -> memref<64xi32, #tpu.memory_space<vmem>>
      %dma_start3A_893 = arith.constant 0 : i32
      %dma_start3A_894 = arith.constant 0 : i32
      %dma_start3A_895 = tpu.memref_slice %arg2[%dma_start3A_893, %dma_start3A_894] : memref<20000x128xf32, #tpu.memory_space<hbm>> -> memref<20000x128xf32, #tpu.memory_space<hbm>>
      %dma_start3A_896 = tpu.memref_slice %arg12[%dma_start3A_885] : memref<4x!tpu.dma_semaphore, #tpu.memory_space<semaphore_mem>> -> memref<1x!tpu.dma_semaphore, #tpu.memory_space<semaphore_mem>>
      %dma_start3A_897 = tpu.memref_squeeze %dma_start3A_896 : memref<1x!tpu.dma_semaphore, #tpu.memory_space<semaphore_mem>> -> memref<!tpu.dma_semaphore, #tpu.memory_space<semaphore_mem>>
      tpu.enqueue_indirect_dma source(%dma_start3A_895 : memref<20000x128xf32, #tpu.memory_space<hbm>>) target(%dma_start3A_889 : memref<64x128xf32, #tpu.memory_space<vmem>>) offsets(%dma_start3A_892 : memref<64xi32, #tpu.memory_space<vmem>>) semaphore(%dma_start3A_897 : memref<!tpu.dma_semaphore, #tpu.memory_space<semaphore_mem>>)
      %dma_wait3A_898 = arith.constant 0 : i32
      %dma_wait3A_899 = arith.constant 0 : i32
      %dma_wait3A_900 = arith.constant 0 : i32
      %dma_wait3A_901 = arith.constant 0 : i32
      %dma_wait3A_902 = arith.constant 0 : i32
      %dma_wait3A_903 = tpu.memref_slice %arg10[%dma_wait3A_899, %dma_wait3A_901, %dma_wait3A_902] : memref<4x64x128xf32, #tpu.memory_space<vmem>> -> memref<1x64x128xf32, #tpu.memory_space<vmem>>
      %dma_wait3A_904 = tpu.memref_squeeze %dma_wait3A_903 : memref<1x64x128xf32, #tpu.memory_space<vmem>> -> memref<64x128xf32, #tpu.memory_space<vmem>>
      %dma_wait3A_905 = arith.constant 0 : i32
      %dma_wait3A_906 = tpu.memref_slice %arg6[%dma_wait3A_898, %dma_wait3A_905] : memref<2x64xi32, #tpu.memory_space<vmem>> -> memref<1x64xi32, #tpu.memory_space<vmem>>
      %dma_wait3A_907 = tpu.memref_squeeze %dma_wait3A_906 : memref<1x64xi32, #tpu.memory_space<vmem>> -> memref<64xi32, #tpu.memory_space<vmem>>
      %dma_wait3A_908 = arith.constant 0 : i32
      %dma_wait3A_909 = arith.constant 0 : i32
      %dma_wait3A_910 = tpu.memref_slice %arg2[%dma_wait3A_908, %dma_wait3A_909] : memref<20000x128xf32, #tpu.memory_space<hbm>> -> memref<20000x128xf32, #tpu.memory_space<hbm>>
      %dma_wait3A_911 = tpu.memref_slice %arg12[%dma_wait3A_900] : memref<4x!tpu.dma_semaphore, #tpu.memory_space<semaphore_mem>> -> memref<1x!tpu.dma_semaphore, #tpu.memory_space<semaphore_mem>>
      %dma_wait3A_912 = tpu.memref_squeeze %dma_wait3A_911 : memref<1x!tpu.dma_semaphore, #tpu.memory_space<semaphore_mem>> -> memref<!tpu.dma_semaphore, #tpu.memory_space<semaphore_mem>>
      tpu.wait_indirect_dma semaphore(%dma_wait3A_912 : memref<!tpu.dma_semaphore, #tpu.memory_space<semaphore_mem>>) src(%dma_wait3A_910 : memref<20000x128xf32, #tpu.memory_space<hbm>>) dst(%dma_wait3A_904 : memref<64x128xf32, #tpu.memory_space<vmem>>)
      %dma_start3A_913 = arith.constant 0 : i32
      %dma_start3A_914 = arith.constant 1 : i32
      %dma_start3A_915 = arith.constant 0 : i32
      %dma_start3A_916 = arith.constant 0 : i32
      %dma_start3A_917 = arith.constant 0 : i32
      %dma_start3A_918 = tpu.memref_slice %arg10[%dma_start3A_913, %dma_start3A_916, %dma_start3A_917] : memref<4x64x128xf32, #tpu.memory_space<vmem>> -> memref<1x64x128xf32, #tpu.memory_space<vmem>>
      %dma_start3A_919 = tpu.memref_squeeze %dma_start3A_918 : memref<1x64x128xf32, #tpu.memory_space<vmem>> -> memref<64x128xf32, #tpu.memory_space<vmem>>
      %dma_start3A_920 = arith.constant 0 : i32
      %dma_start3A_921 = tpu.memref_slice %arg6[%dma_start3A_914, %dma_start3A_920] : memref<2x64xi32, #tpu.memory_space<vmem>> -> memref<1x64xi32, #tpu.memory_space<vmem>>
      %dma_start3A_922 = tpu.memref_squeeze %dma_start3A_921 : memref<1x64xi32, #tpu.memory_space<vmem>> -> memref<64xi32, #tpu.memory_space<vmem>>
      %dma_start3A_923 = arith.constant 0 : i32
      %dma_start3A_924 = arith.constant 0 : i32
      %dma_start3A_925 = tpu.memref_slice %arg11[%dma_start3A_923, %dma_start3A_924] : memref<10008x128xf32, #tpu.memory_space<vmem_shared>> -> memref<10008x128xf32, #tpu.memory_space<vmem_shared>>
      %dma_start3A_926 = tpu.memref_slice %arg13[%dma_start3A_915] : memref<4x!tpu.dma_semaphore, #tpu.memory_space<semaphore_mem>> -> memref<1x!tpu.dma_semaphore, #tpu.memory_space<semaphore_mem>>
      %dma_start3A_927 = tpu.memref_squeeze %dma_start3A_926 : memref<1x!tpu.dma_semaphore, #tpu.memory_space<semaphore_mem>> -> memref<!tpu.dma_semaphore, #tpu.memory_space<semaphore_mem>>
      tpu.enqueue_indirect_dma source(%dma_start3A_919 : memref<64x128xf32, #tpu.memory_space<vmem>>) target(%dma_start3A_925 : memref<10008x128xf32, #tpu.memory_space<vmem_shared>>) offsets(%dma_start3A_922 : memref<64xi32, #tpu.memory_space<vmem>>) semaphore(%dma_start3A_927 : memref<!tpu.dma_semaphore, #tpu.memory_space<semaphore_mem>>) {add = true}
      %mul3A_928 = arith.constant 4 : i32
      %mul3A_929 = arith.muli %scan3A_822, %mul3A_928 : i32
      %add3A_930 = arith.constant 1 : i32
      %add3A_931 = arith.addi %mul3A_929, %add3A_930 : i32
      %sub3A_932 = arith.constant 1 : i32
      %sub3A_933 = arith.subi %add3A_931, %sub3A_932 : i32
      %dma_wait3A_934 = arith.constant 0 : i32
      %dma_wait3A_935 = arith.constant 1 : i32
      %dma_wait3A_936 = arith.constant 0 : i32
      %dma_wait3A_937 = arith.constant 0 : i32
      %dma_wait3A_938 = arith.constant 0 : i32
      %dma_wait3A_939 = tpu.memref_slice %arg10[%dma_wait3A_934, %dma_wait3A_937, %dma_wait3A_938] : memref<4x64x128xf32, #tpu.memory_space<vmem>> -> memref<1x64x128xf32, #tpu.memory_space<vmem>>
      %dma_wait3A_940 = tpu.memref_squeeze %dma_wait3A_939 : memref<1x64x128xf32, #tpu.memory_space<vmem>> -> memref<64x128xf32, #tpu.memory_space<vmem>>
      %dma_wait3A_941 = arith.constant 0 : i32
      %dma_wait3A_942 = tpu.memref_slice %arg6[%dma_wait3A_935, %dma_wait3A_941] : memref<2x64xi32, #tpu.memory_space<vmem>> -> memref<1x64xi32, #tpu.memory_space<vmem>>
      %dma_wait3A_943 = tpu.memref_squeeze %dma_wait3A_942 : memref<1x64xi32, #tpu.memory_space<vmem>> -> memref<64xi32, #tpu.memory_space<vmem>>
      %dma_wait3A_944 = arith.constant 0 : i32
      %dma_wait3A_945 = arith.constant 0 : i32
      %dma_wait3A_946 = tpu.memref_slice %arg11[%dma_wait3A_944, %dma_wait3A_945] : memref<10008x128xf32, #tpu.memory_space<vmem_shared>> -> memref<10008x128xf32, #tpu.memory_space<vmem_shared>>
      %dma_wait3A_947 = tpu.memref_slice %arg13[%dma_wait3A_936] : memref<4x!tpu.dma_semaphore, #tpu.memory_space<semaphore_mem>> -> memref<1x!tpu.dma_semaphore, #tpu.memory_space<semaphore_mem>>
      %dma_wait3A_948 = tpu.memref_squeeze %dma_wait3A_947 : memref<1x!tpu.dma_semaphore, #tpu.memory_space<semaphore_mem>> -> memref<!tpu.dma_semaphore, #tpu.memory_space<semaphore_mem>>
      tpu.wait_indirect_dma semaphore(%dma_wait3A_948 : memref<!tpu.dma_semaphore, #tpu.memory_space<semaphore_mem>>) src(%dma_wait3A_940 : memref<64x128xf32, #tpu.memory_space<vmem>>) dst(%dma_wait3A_946 : memref<10008x128xf32, #tpu.memory_space<vmem_shared>>)
      %add3A_949 = arith.constant 4 : i32
      %add3A_950 = arith.addi %add3A_931, %add3A_949 : i32
      %sub3A_951 = arith.constant 1 : i32
      %sub3A_952 = arith.subi %add3A_950, %sub3A_951 : i32
      %mul3A_953 = arith.constant 160 : i32
      %mul3A_954 = arith.muli %arg1, %mul3A_953 : i32
      %add3A_955 = arith.addi %mul3A_954, %sub3A_952 : i32
      %dma_start3A_956 = arith.constant 0 : i32
      %dma_start3A_957 = arith.constant 0 : i32
      %dma_start3A_958 = arith.constant 0 : i32
      %dma_start3A_959 = tpu.memref_slice %arg3[%arg0, %add3A_955, %dma_start3A_957, %dma_start3A_958] : memref<2x2560x2x64xi32, #tpu.memory_space<hbm>> -> memref<1x1x2x64xi32, #tpu.memory_space<hbm>>
      %dma_start3A_960 = tpu.memref_squeeze %dma_start3A_959 : memref<1x1x2x64xi32, #tpu.memory_space<hbm>> -> memref<2x64xi32, #tpu.memory_space<hbm>>
      %dma_start3A_961 = tpu.memref_slice %arg14[%dma_start3A_956] : memref<4x!tpu.dma_semaphore, #tpu.memory_space<semaphore_mem>> -> memref<1x!tpu.dma_semaphore, #tpu.memory_space<semaphore_mem>>
      %dma_start3A_962 = tpu.memref_squeeze %dma_start3A_961 : memref<1x!tpu.dma_semaphore, #tpu.memory_space<semaphore_mem>> -> memref<!tpu.dma_semaphore, #tpu.memory_space<semaphore_mem>>
      %dma_start3A_963 = arith.constant 0 : i32
      %dma_start3A_964 = arith.constant 0 : i32
      %dma_start3A_965 = tpu.memref_slice %arg3[%arg0, %add3A_955, %dma_start3A_963, %dma_start3A_964] : memref<2x2560x2x64xi32, #tpu.memory_space<hbm>> -> memref<1x1x2x64xi32, #tpu.memory_space<hbm>>
      %dma_start3A_966 = tpu.memref_squeeze %dma_start3A_965 : memref<1x1x2x64xi32, #tpu.memory_space<hbm>> -> memref<2x64xi32, #tpu.memory_space<hbm>>
      tpu.enqueue_dma source(%dma_start3A_966 : memref<2x64xi32, #tpu.memory_space<hbm>>) target(%arg6 : memref<2x64xi32, #tpu.memory_space<vmem>>) target_semaphore(%dma_start3A_962 : memref<!tpu.dma_semaphore, #tpu.memory_space<semaphore_mem>>)
      %add3A_967 = arith.constant 4 : i32
      %add3A_968 = arith.addi %add3A_931, %add3A_967 : i32
      %sub3A_969 = arith.constant 2 : i32
      %sub3A_970 = arith.subi %add3A_968, %sub3A_969 : i32
      %mul3A_971 = arith.constant 160 : i32
      %mul3A_972 = arith.muli %arg1, %mul3A_971 : i32
      %add3A_973 = arith.addi %mul3A_972, %sub3A_970 : i32
      %dma_wait3A_974 = arith.constant 3 : i32
      %dma_wait3A_975 = arith.constant 0 : i32
      %dma_wait3A_976 = arith.constant 0 : i32
      %dma_wait3A_977 = tpu.memref_slice %arg3[%arg0, %add3A_973, %dma_wait3A_975, %dma_wait3A_976] : memref<2x2560x2x64xi32, #tpu.memory_space<hbm>> -> memref<1x1x2x64xi32, #tpu.memory_space<hbm>>
      %dma_wait3A_978 = tpu.memref_squeeze %dma_wait3A_977 : memref<1x1x2x64xi32, #tpu.memory_space<hbm>> -> memref<2x64xi32, #tpu.memory_space<hbm>>
      %dma_wait3A_979 = tpu.memref_slice %arg14[%dma_wait3A_974] : memref<4x!tpu.dma_semaphore, #tpu.memory_space<semaphore_mem>> -> memref<1x!tpu.dma_semaphore, #tpu.memory_space<semaphore_mem>>
      %dma_wait3A_980 = tpu.memref_squeeze %dma_wait3A_979 : memref<1x!tpu.dma_semaphore, #tpu.memory_space<semaphore_mem>> -> memref<!tpu.dma_semaphore, #tpu.memory_space<semaphore_mem>>
      %dma_wait3A_981 = arith.constant 0 : i32
      %dma_wait3A_982 = arith.constant 0 : i32
      %dma_wait3A_983 = tpu.memref_slice %arg3[%arg0, %add3A_973, %dma_wait3A_981, %dma_wait3A_982] : memref<2x2560x2x64xi32, #tpu.memory_space<hbm>> -> memref<1x1x2x64xi32, #tpu.memory_space<hbm>>
      %dma_wait3A_984 = tpu.memref_squeeze %dma_wait3A_983 : memref<1x1x2x64xi32, #tpu.memory_space<hbm>> -> memref<2x64xi32, #tpu.memory_space<hbm>>
      tpu.wait_dma2 semaphore(%dma_wait3A_980 : memref<!tpu.dma_semaphore, #tpu.memory_space<semaphore_mem>>) src(%dma_wait3A_984 : memref<2x64xi32, #tpu.memory_space<hbm>>) dst(%arg9 : memref<2x64xi32, #tpu.memory_space<vmem>>)
      %add3A_985 = arith.constant 4 : i32
      %add3A_986 = arith.addi %add3A_931, %add3A_985 : i32
      %sub3A_987 = arith.constant 2 : i32
      %sub3A_988 = arith.subi %add3A_986, %sub3A_987 : i32
      %dma_start3A_989 = arith.constant 0 : i32
      %dma_start3A_990 = arith.constant 3 : i32
      %dma_start3A_991 = arith.constant 3 : i32
      %dma_start3A_992 = arith.constant 0 : i32
      %dma_start3A_993 = arith.constant 0 : i32
      %dma_start3A_994 = tpu.memref_slice %arg10[%dma_start3A_990, %dma_start3A_992, %dma_start3A_993] : memref<4x64x128xf32, #tpu.memory_space<vmem>> -> memref<1x64x128xf32, #tpu.memory_space<vmem>>
      %dma_start3A_995 = tpu.memref_squeeze %dma_start3A_994 : memref<1x64x128xf32, #tpu.memory_space<vmem>> -> memref<64x128xf32, #tpu.memory_space<vmem>>
      %dma_start3A_996 = arith.constant 0 : i32
      %dma_start3A_997 = tpu.memref_slice %arg9[%dma_start3A_989, %dma_start3A_996] : memref<2x64xi32, #tpu.memory_space<vmem>> -> memref<1x64xi32, #tpu.memory_space<vmem>>
      %dma_start3A_998 = tpu.memref_squeeze %dma_start3A_997 : memref<1x64xi32, #tpu.memory_space<vmem>> -> memref<64xi32, #tpu.memory_space<vmem>>
      %dma_start3A_999 = arith.constant 0 : i32
      %dma_start3A_1000 = arith.constant 0 : i32
      %dma_start3A_1001 = tpu.memref_slice %arg2[%dma_start3A_999, %dma_start3A_1000] : memref<20000x128xf32, #tpu.memory_space<hbm>> -> memref<20000x128xf32, #tpu.memory_space<hbm>>
      %dma_start3A_1002 = tpu.memref_slice %arg12[%dma_start3A_991] : memref<4x!tpu.dma_semaphore, #tpu.memory_space<semaphore_mem>> -> memref<1x!tpu.dma_semaphore, #tpu.memory_space<semaphore_mem>>
      %dma_start3A_1003 = tpu.memref_squeeze %dma_start3A_1002 : memref<1x!tpu.dma_semaphore, #tpu.memory_space<semaphore_mem>> -> memref<!tpu.dma_semaphore, #tpu.memory_space<semaphore_mem>>
      tpu.enqueue_indirect_dma source(%dma_start3A_1001 : memref<20000x128xf32, #tpu.memory_space<hbm>>) target(%dma_start3A_995 : memref<64x128xf32, #tpu.memory_space<vmem>>) offsets(%dma_start3A_998 : memref<64xi32, #tpu.memory_space<vmem>>) semaphore(%dma_start3A_1003 : memref<!tpu.dma_semaphore, #tpu.memory_space<semaphore_mem>>)
      %dma_wait3A_1004 = arith.constant 0 : i32
      %dma_wait3A_1005 = arith.constant 1 : i32
      %dma_wait3A_1006 = arith.constant 1 : i32
      %dma_wait3A_1007 = arith.constant 0 : i32
      %dma_wait3A_1008 = arith.constant 0 : i32
      %dma_wait3A_1009 = tpu.memref_slice %arg10[%dma_wait3A_1005, %dma_wait3A_1007, %dma_wait3A_1008] : memref<4x64x128xf32, #tpu.memory_space<vmem>> -> memref<1x64x128xf32, #tpu.memory_space<vmem>>
      %dma_wait3A_1010 = tpu.memref_squeeze %dma_wait3A_1009 : memref<1x64x128xf32, #tpu.memory_space<vmem>> -> memref<64x128xf32, #tpu.memory_space<vmem>>
      %dma_wait3A_1011 = arith.constant 0 : i32
      %dma_wait3A_1012 = tpu.memref_slice %arg7[%dma_wait3A_1004, %dma_wait3A_1011] : memref<2x64xi32, #tpu.memory_space<vmem>> -> memref<1x64xi32, #tpu.memory_space<vmem>>
      %dma_wait3A_1013 = tpu.memref_squeeze %dma_wait3A_1012 : memref<1x64xi32, #tpu.memory_space<vmem>> -> memref<64xi32, #tpu.memory_space<vmem>>
      %dma_wait3A_1014 = arith.constant 0 : i32
      %dma_wait3A_1015 = arith.constant 0 : i32
      %dma_wait3A_1016 = tpu.memref_slice %arg2[%dma_wait3A_1014, %dma_wait3A_1015] : memref<20000x128xf32, #tpu.memory_space<hbm>> -> memref<20000x128xf32, #tpu.memory_space<hbm>>
      %dma_wait3A_1017 = tpu.memref_slice %arg12[%dma_wait3A_1006] : memref<4x!tpu.dma_semaphore, #tpu.memory_space<semaphore_mem>> -> memref<1x!tpu.dma_semaphore, #tpu.memory_space<semaphore_mem>>
      %dma_wait3A_1018 = tpu.memref_squeeze %dma_wait3A_1017 : memref<1x!tpu.dma_semaphore, #tpu.memory_space<semaphore_mem>> -> memref<!tpu.dma_semaphore, #tpu.memory_space<semaphore_mem>>
      tpu.wait_indirect_dma semaphore(%dma_wait3A_1018 : memref<!tpu.dma_semaphore, #tpu.memory_space<semaphore_mem>>) src(%dma_wait3A_1016 : memref<20000x128xf32, #tpu.memory_space<hbm>>) dst(%dma_wait3A_1010 : memref<64x128xf32, #tpu.memory_space<vmem>>)
      %dma_start3A_1019 = arith.constant 1 : i32
      %dma_start3A_1020 = arith.constant 1 : i32
      %dma_start3A_1021 = arith.constant 1 : i32
      %dma_start3A_1022 = arith.constant 0 : i32
      %dma_start3A_1023 = arith.constant 0 : i32
      %dma_start3A_1024 = tpu.memref_slice %arg10[%dma_start3A_1019, %dma_start3A_1022, %dma_start3A_1023] : memref<4x64x128xf32, #tpu.memory_space<vmem>> -> memref<1x64x128xf32, #tpu.memory_space<vmem>>
      %dma_start3A_1025 = tpu.memref_squeeze %dma_start3A_1024 : memref<1x64x128xf32, #tpu.memory_space<vmem>> -> memref<64x128xf32, #tpu.memory_space<vmem>>
      %dma_start3A_1026 = arith.constant 0 : i32
      %dma_start3A_1027 = tpu.memref_slice %arg7[%dma_start3A_1020, %dma_start3A_1026] : memref<2x64xi32, #tpu.memory_space<vmem>> -> memref<1x64xi32, #tpu.memory_space<vmem>>
      %dma_start3A_1028 = tpu.memref_squeeze %dma_start3A_1027 : memref<1x64xi32, #tpu.memory_space<vmem>> -> memref<64xi32, #tpu.memory_space<vmem>>
      %dma_start3A_1029 = arith.constant 0 : i32
      %dma_start3A_1030 = arith.constant 0 : i32
      %dma_start3A_1031 = tpu.memref_slice %arg11[%dma_start3A_1029, %dma_start3A_1030] : memref<10008x128xf32, #tpu.memory_space<vmem_shared>> -> memref<10008x128xf32, #tpu.memory_space<vmem_shared>>
      %dma_start3A_1032 = tpu.memref_slice %arg13[%dma_start3A_1021] : memref<4x!tpu.dma_semaphore, #tpu.memory_space<semaphore_mem>> -> memref<1x!tpu.dma_semaphore, #tpu.memory_space<semaphore_mem>>
      %dma_start3A_1033 = tpu.memref_squeeze %dma_start3A_1032 : memref<1x!tpu.dma_semaphore, #tpu.memory_space<semaphore_mem>> -> memref<!tpu.dma_semaphore, #tpu.memory_space<semaphore_mem>>
      tpu.enqueue_indirect_dma source(%dma_start3A_1025 : memref<64x128xf32, #tpu.memory_space<vmem>>) target(%dma_start3A_1031 : memref<10008x128xf32, #tpu.memory_space<vmem_shared>>) offsets(%dma_start3A_1028 : memref<64xi32, #tpu.memory_space<vmem>>) semaphore(%dma_start3A_1033 : memref<!tpu.dma_semaphore, #tpu.memory_space<semaphore_mem>>) {add = true}
      %mul3A_1034 = arith.constant 4 : i32
      %mul3A_1035 = arith.muli %scan3A_822, %mul3A_1034 : i32
      %add3A_1036 = arith.constant 2 : i32
      %add3A_1037 = arith.addi %mul3A_1035, %add3A_1036 : i32
      %sub3A_1038 = arith.constant 1 : i32
      %sub3A_1039 = arith.subi %add3A_1037, %sub3A_1038 : i32
      %dma_wait3A_1040 = arith.constant 1 : i32
      %dma_wait3A_1041 = arith.constant 1 : i32
      %dma_wait3A_1042 = arith.constant 1 : i32
      %dma_wait3A_1043 = arith.constant 0 : i32
      %dma_wait3A_1044 = arith.constant 0 : i32
      %dma_wait3A_1045 = tpu.memref_slice %arg10[%dma_wait3A_1040, %dma_wait3A_1043, %dma_wait3A_1044] : memref<4x64x128xf32, #tpu.memory_space<vmem>> -> memref<1x64x128xf32, #tpu.memory_space<vmem>>
      %dma_wait3A_1046 = tpu.memref_squeeze %dma_wait3A_1045 : memref<1x64x128xf32, #tpu.memory_space<vmem>> -> memref<64x128xf32, #tpu.memory_space<vmem>>
      %dma_wait3A_1047 = arith.constant 0 : i32
      %dma_wait3A_1048 = tpu.memref_slice %arg7[%dma_wait3A_1041, %dma_wait3A_1047] : memref<2x64xi32, #tpu.memory_space<vmem>> -> memref<1x64xi32, #tpu.memory_space<vmem>>
      %dma_wait3A_1049 = tpu.memref_squeeze %dma_wait3A_1048 : memref<1x64xi32, #tpu.memory_space<vmem>> -> memref<64xi32, #tpu.memory_space<vmem>>
      %dma_wait3A_1050 = arith.constant 0 : i32
      %dma_wait3A_1051 = arith.constant 0 : i32
      %dma_wait3A_1052 = tpu.memref_slice %arg11[%dma_wait3A_1050, %dma_wait3A_1051] : memref<10008x128xf32, #tpu.memory_space<vmem_shared>> -> memref<10008x128xf32, #tpu.memory_space<vmem_shared>>
      %dma_wait3A_1053 = tpu.memref_slice %arg13[%dma_wait3A_1042] : memref<4x!tpu.dma_semaphore, #tpu.memory_space<semaphore_mem>> -> memref<1x!tpu.dma_semaphore, #tpu.memory_space<semaphore_mem>>
      %dma_wait3A_1054 = tpu.memref_squeeze %dma_wait3A_1053 : memref<1x!tpu.dma_semaphore, #tpu.memory_space<semaphore_mem>> -> memref<!tpu.dma_semaphore, #tpu.memory_space<semaphore_mem>>
      tpu.wait_indirect_dma semaphore(%dma_wait3A_1054 : memref<!tpu.dma_semaphore, #tpu.memory_space<semaphore_mem>>) src(%dma_wait3A_1046 : memref<64x128xf32, #tpu.memory_space<vmem>>) dst(%dma_wait3A_1052 : memref<10008x128xf32, #tpu.memory_space<vmem_shared>>)
      %add3A_1055 = arith.constant 4 : i32
      %add3A_1056 = arith.addi %add3A_1037, %add3A_1055 : i32
      %sub3A_1057 = arith.constant 1 : i32
      %sub3A_1058 = arith.subi %add3A_1056, %sub3A_1057 : i32
      %mul3A_1059 = arith.constant 160 : i32
      %mul3A_1060 = arith.muli %arg1, %mul3A_1059 : i32
      %add3A_1061 = arith.addi %mul3A_1060, %sub3A_1058 : i32
      %dma_start3A_1062 = arith.constant 1 : i32
      %dma_start3A_1063 = arith.constant 0 : i32
      %dma_start3A_1064 = arith.constant 0 : i32
      %dma_start3A_1065 = tpu.memref_slice %arg3[%arg0, %add3A_1061, %dma_start3A_1063, %dma_start3A_1064] : memref<2x2560x2x64xi32, #tpu.memory_space<hbm>> -> memref<1x1x2x64xi32, #tpu.memory_space<hbm>>
      %dma_start3A_1066 = tpu.memref_squeeze %dma_start3A_1065 : memref<1x1x2x64xi32, #tpu.memory_space<hbm>> -> memref<2x64xi32, #tpu.memory_space<hbm>>
      %dma_start3A_1067 = tpu.memref_slice %arg14[%dma_start3A_1062] : memref<4x!tpu.dma_semaphore, #tpu.memory_space<semaphore_mem>> -> memref<1x!tpu.dma_semaphore, #tpu.memory_space<semaphore_mem>>
      %dma_start3A_1068 = tpu.memref_squeeze %dma_start3A_1067 : memref<1x!tpu.dma_semaphore, #tpu.memory_space<semaphore_mem>> -> memref<!tpu.dma_semaphore, #tpu.memory_space<semaphore_mem>>
      %dma_start3A_1069 = arith.constant 0 : i32
      %dma_start3A_1070 = arith.constant 0 : i32
      %dma_start3A_1071 = tpu.memref_slice %arg3[%arg0, %add3A_1061, %dma_start3A_1069, %dma_start3A_1070] : memref<2x2560x2x64xi32, #tpu.memory_space<hbm>> -> memref<1x1x2x64xi32, #tpu.memory_space<hbm>>
      %dma_start3A_1072 = tpu.memref_squeeze %dma_start3A_1071 : memref<1x1x2x64xi32, #tpu.memory_space<hbm>> -> memref<2x64xi32, #tpu.memory_space<hbm>>
      tpu.enqueue_dma source(%dma_start3A_1072 : memref<2x64xi32, #tpu.memory_space<hbm>>) target(%arg7 : memref<2x64xi32, #tpu.memory_space<vmem>>) target_semaphore(%dma_start3A_1068 : memref<!tpu.dma_semaphore, #tpu.memory_space<semaphore_mem>>)
      %add3A_1073 = arith.constant 4 : i32
      %add3A_1074 = arith.addi %add3A_1037, %add3A_1073 : i32
      %sub3A_1075 = arith.constant 2 : i32
      %sub3A_1076 = arith.subi %add3A_1074, %sub3A_1075 : i32
      %mul3A_1077 = arith.constant 160 : i32
      %mul3A_1078 = arith.muli %arg1, %mul3A_1077 : i32
      %add3A_1079 = arith.addi %mul3A_1078, %sub3A_1076 : i32
      %dma_wait3A_1080 = arith.constant 0 : i32
      %dma_wait3A_1081 = arith.constant 0 : i32
      %dma_wait3A_1082 = arith.constant 0 : i32
      %dma_wait3A_1083 = tpu.memref_slice %arg3[%arg0, %add3A_1079, %dma_wait3A_1081, %dma_wait3A_1082] : memref<2x2560x2x64xi32, #tpu.memory_space<hbm>> -> memref<1x1x2x64xi32, #tpu.memory_space<hbm>>
      %dma_wait3A_1084 = tpu.memref_squeeze %dma_wait3A_1083 : memref<1x1x2x64xi32, #tpu.memory_space<hbm>> -> memref<2x64xi32, #tpu.memory_space<hbm>>
      %dma_wait3A_1085 = tpu.memref_slice %arg14[%dma_wait3A_1080] : memref<4x!tpu.dma_semaphore, #tpu.memory_space<semaphore_mem>> -> memref<1x!tpu.dma_semaphore, #tpu.memory_space<semaphore_mem>>
      %dma_wait3A_1086 = tpu.memref_squeeze %dma_wait3A_1085 : memref<1x!tpu.dma_semaphore, #tpu.memory_space<semaphore_mem>> -> memref<!tpu.dma_semaphore, #tpu.memory_space<semaphore_mem>>
      %dma_wait3A_1087 = arith.constant 0 : i32
      %dma_wait3A_1088 = arith.constant 0 : i32
      %dma_wait3A_1089 = tpu.memref_slice %arg3[%arg0, %add3A_1079, %dma_wait3A_1087, %dma_wait3A_1088] : memref<2x2560x2x64xi32, #tpu.memory_space<hbm>> -> memref<1x1x2x64xi32, #tpu.memory_space<hbm>>
      %dma_wait3A_1090 = tpu.memref_squeeze %dma_wait3A_1089 : memref<1x1x2x64xi32, #tpu.memory_space<hbm>> -> memref<2x64xi32, #tpu.memory_space<hbm>>
      tpu.wait_dma2 semaphore(%dma_wait3A_1086 : memref<!tpu.dma_semaphore, #tpu.memory_space<semaphore_mem>>) src(%dma_wait3A_1090 : memref<2x64xi32, #tpu.memory_space<hbm>>) dst(%arg6 : memref<2x64xi32, #tpu.memory_space<vmem>>)
      %add3A_1091 = arith.constant 4 : i32
      %add3A_1092 = arith.addi %add3A_1037, %add3A_1091 : i32
      %sub3A_1093 = arith.constant 2 : i32
      %sub3A_1094 = arith.subi %add3A_1092, %sub3A_1093 : i32
      %dma_start3A_1095 = arith.constant 0 : i32
      %dma_start3A_1096 = arith.constant 0 : i32
      %dma_start3A_1097 = arith.constant 0 : i32
      %dma_start3A_1098 = arith.constant 0 : i32
      %dma_start3A_1099 = arith.constant 0 : i32
      %dma_start3A_1100 = tpu.memref_slice %arg10[%dma_start3A_1096, %dma_start3A_1098, %dma_start3A_1099] : memref<4x64x128xf32, #tpu.memory_space<vmem>> -> memref<1x64x128xf32, #tpu.memory_space<vmem>>
      %dma_start3A_1101 = tpu.memref_squeeze %dma_start3A_1100 : memref<1x64x128xf32, #tpu.memory_space<vmem>> -> memref<64x128xf32, #tpu.memory_space<vmem>>
      %dma_start3A_1102 = arith.constant 0 : i32
      %dma_start3A_1103 = tpu.memref_slice %arg6[%dma_start3A_1095, %dma_start3A_1102] : memref<2x64xi32, #tpu.memory_space<vmem>> -> memref<1x64xi32, #tpu.memory_space<vmem>>
      %dma_start3A_1104 = tpu.memref_squeeze %dma_start3A_1103 : memref<1x64xi32, #tpu.memory_space<vmem>> -> memref<64xi32, #tpu.memory_space<vmem>>
      %dma_start3A_1105 = arith.constant 0 : i32
      %dma_start3A_1106 = arith.constant 0 : i32
      %dma_start3A_1107 = tpu.memref_slice %arg2[%dma_start3A_1105, %dma_start3A_1106] : memref<20000x128xf32, #tpu.memory_space<hbm>> -> memref<20000x128xf32, #tpu.memory_space<hbm>>
      %dma_start3A_1108 = tpu.memref_slice %arg12[%dma_start3A_1097] : memref<4x!tpu.dma_semaphore, #tpu.memory_space<semaphore_mem>> -> memref<1x!tpu.dma_semaphore, #tpu.memory_space<semaphore_mem>>
      %dma_start3A_1109 = tpu.memref_squeeze %dma_start3A_1108 : memref<1x!tpu.dma_semaphore, #tpu.memory_space<semaphore_mem>> -> memref<!tpu.dma_semaphore, #tpu.memory_space<semaphore_mem>>
      tpu.enqueue_indirect_dma source(%dma_start3A_1107 : memref<20000x128xf32, #tpu.memory_space<hbm>>) target(%dma_start3A_1101 : memref<64x128xf32, #tpu.memory_space<vmem>>) offsets(%dma_start3A_1104 : memref<64xi32, #tpu.memory_space<vmem>>) semaphore(%dma_start3A_1109 : memref<!tpu.dma_semaphore, #tpu.memory_space<semaphore_mem>>)
      %dma_wait3A_1110 = arith.constant 0 : i32
      %dma_wait3A_1111 = arith.constant 2 : i32
      %dma_wait3A_1112 = arith.constant 2 : i32
      %dma_wait3A_1113 = arith.constant 0 : i32
      %dma_wait3A_1114 = arith.constant 0 : i32
      %dma_wait3A_1115 = tpu.memref_slice %arg10[%dma_wait3A_1111, %dma_wait3A_1113, %dma_wait3A_1114] : memref<4x64x128xf32, #tpu.memory_space<vmem>> -> memref<1x64x128xf32, #tpu.memory_space<vmem>>
      %dma_wait3A_1116 = tpu.memref_squeeze %dma_wait3A_1115 : memref<1x64x128xf32, #tpu.memory_space<vmem>> -> memref<64x128xf32, #tpu.memory_space<vmem>>
      %dma_wait3A_1117 = arith.constant 0 : i32
      %dma_wait3A_1118 = tpu.memref_slice %arg8[%dma_wait3A_1110, %dma_wait3A_1117] : memref<2x64xi32, #tpu.memory_space<vmem>> -> memref<1x64xi32, #tpu.memory_space<vmem>>
      %dma_wait3A_1119 = tpu.memref_squeeze %dma_wait3A_1118 : memref<1x64xi32, #tpu.memory_space<vmem>> -> memref<64xi32, #tpu.memory_space<vmem>>
      %dma_wait3A_1120 = arith.constant 0 : i32
      %dma_wait3A_1121 = arith.constant 0 : i32
      %dma_wait3A_1122 = tpu.memref_slice %arg2[%dma_wait3A_1120, %dma_wait3A_1121] : memref<20000x128xf32, #tpu.memory_space<hbm>> -> memref<20000x128xf32, #tpu.memory_space<hbm>>
      %dma_wait3A_1123 = tpu.memref_slice %arg12[%dma_wait3A_1112] : memref<4x!tpu.dma_semaphore, #tpu.memory_space<semaphore_mem>> -> memref<1x!tpu.dma_semaphore, #tpu.memory_space<semaphore_mem>>
      %dma_wait3A_1124 = tpu.memref_squeeze %dma_wait3A_1123 : memref<1x!tpu.dma_semaphore, #tpu.memory_space<semaphore_mem>> -> memref<!tpu.dma_semaphore, #tpu.memory_space<semaphore_mem>>
      tpu.wait_indirect_dma semaphore(%dma_wait3A_1124 : memref<!tpu.dma_semaphore, #tpu.memory_space<semaphore_mem>>) src(%dma_wait3A_1122 : memref<20000x128xf32, #tpu.memory_space<hbm>>) dst(%dma_wait3A_1116 : memref<64x128xf32, #tpu.memory_space<vmem>>)
      %dma_start3A_1125 = arith.constant 2 : i32
      %dma_start3A_1126 = arith.constant 1 : i32
      %dma_start3A_1127 = arith.constant 2 : i32
      %dma_start3A_1128 = arith.constant 0 : i32
      %dma_start3A_1129 = arith.constant 0 : i32
      %dma_start3A_1130 = tpu.memref_slice %arg10[%dma_start3A_1125, %dma_start3A_1128, %dma_start3A_1129] : memref<4x64x128xf32, #tpu.memory_space<vmem>> -> memref<1x64x128xf32, #tpu.memory_space<vmem>>
      %dma_start3A_1131 = tpu.memref_squeeze %dma_start3A_1130 : memref<1x64x128xf32, #tpu.memory_space<vmem>> -> memref<64x128xf32, #tpu.memory_space<vmem>>
      %dma_start3A_1132 = arith.constant 0 : i32
      %dma_start3A_1133 = tpu.memref_slice %arg8[%dma_start3A_1126, %dma_start3A_1132] : memref<2x64xi32, #tpu.memory_space<vmem>> -> memref<1x64xi32, #tpu.memory_space<vmem>>
      %dma_start3A_1134 = tpu.memref_squeeze %dma_start3A_1133 : memref<1x64xi32, #tpu.memory_space<vmem>> -> memref<64xi32, #tpu.memory_space<vmem>>
      %dma_start3A_1135 = arith.constant 0 : i32
      %dma_start3A_1136 = arith.constant 0 : i32
      %dma_start3A_1137 = tpu.memref_slice %arg11[%dma_start3A_1135, %dma_start3A_1136] : memref<10008x128xf32, #tpu.memory_space<vmem_shared>> -> memref<10008x128xf32, #tpu.memory_space<vmem_shared>>
      %dma_start3A_1138 = tpu.memref_slice %arg13[%dma_start3A_1127] : memref<4x!tpu.dma_semaphore, #tpu.memory_space<semaphore_mem>> -> memref<1x!tpu.dma_semaphore, #tpu.memory_space<semaphore_mem>>
      %dma_start3A_1139 = tpu.memref_squeeze %dma_start3A_1138 : memref<1x!tpu.dma_semaphore, #tpu.memory_space<semaphore_mem>> -> memref<!tpu.dma_semaphore, #tpu.memory_space<semaphore_mem>>
      tpu.enqueue_indirect_dma source(%dma_start3A_1131 : memref<64x128xf32, #tpu.memory_space<vmem>>) target(%dma_start3A_1137 : memref<10008x128xf32, #tpu.memory_space<vmem_shared>>) offsets(%dma_start3A_1134 : memref<64xi32, #tpu.memory_space<vmem>>) semaphore(%dma_start3A_1139 : memref<!tpu.dma_semaphore, #tpu.memory_space<semaphore_mem>>) {add = true}
      %mul3A_1140 = arith.constant 4 : i32
      %mul3A_1141 = arith.muli %scan3A_822, %mul3A_1140 : i32
      %add3A_1142 = arith.constant 3 : i32
      %add3A_1143 = arith.addi %mul3A_1141, %add3A_1142 : i32
      %sub3A_1144 = arith.constant 1 : i32
      %sub3A_1145 = arith.subi %add3A_1143, %sub3A_1144 : i32
      %dma_wait3A_1146 = arith.constant 2 : i32
      %dma_wait3A_1147 = arith.constant 1 : i32
      %dma_wait3A_1148 = arith.constant 2 : i32
      %dma_wait3A_1149 = arith.constant 0 : i32
      %dma_wait3A_1150 = arith.constant 0 : i32
      %dma_wait3A_1151 = tpu.memref_slice %arg10[%dma_wait3A_1146, %dma_wait3A_1149, %dma_wait3A_1150] : memref<4x64x128xf32, #tpu.memory_space<vmem>> -> memref<1x64x128xf32, #tpu.memory_space<vmem>>
      %dma_wait3A_1152 = tpu.memref_squeeze %dma_wait3A_1151 : memref<1x64x128xf32, #tpu.memory_space<vmem>> -> memref<64x128xf32, #tpu.memory_space<vmem>>
      %dma_wait3A_1153 = arith.constant 0 : i32
      %dma_wait3A_1154 = tpu.memref_slice %arg8[%dma_wait3A_1147, %dma_wait3A_1153] : memref<2x64xi32, #tpu.memory_space<vmem>> -> memref<1x64xi32, #tpu.memory_space<vmem>>
      %dma_wait3A_1155 = tpu.memref_squeeze %dma_wait3A_1154 : memref<1x64xi32, #tpu.memory_space<vmem>> -> memref<64xi32, #tpu.memory_space<vmem>>
      %dma_wait3A_1156 = arith.constant 0 : i32
      %dma_wait3A_1157 = arith.constant 0 : i32
      %dma_wait3A_1158 = tpu.memref_slice %arg11[%dma_wait3A_1156, %dma_wait3A_1157] : memref<10008x128xf32, #tpu.memory_space<vmem_shared>> -> memref<10008x128xf32, #tpu.memory_space<vmem_shared>>
      %dma_wait3A_1159 = tpu.memref_slice %arg13[%dma_wait3A_1148] : memref<4x!tpu.dma_semaphore, #tpu.memory_space<semaphore_mem>> -> memref<1x!tpu.dma_semaphore, #tpu.memory_space<semaphore_mem>>
      %dma_wait3A_1160 = tpu.memref_squeeze %dma_wait3A_1159 : memref<1x!tpu.dma_semaphore, #tpu.memory_space<semaphore_mem>> -> memref<!tpu.dma_semaphore, #tpu.memory_space<semaphore_mem>>
      tpu.wait_indirect_dma semaphore(%dma_wait3A_1160 : memref<!tpu.dma_semaphore, #tpu.memory_space<semaphore_mem>>) src(%dma_wait3A_1152 : memref<64x128xf32, #tpu.memory_space<vmem>>) dst(%dma_wait3A_1158 : memref<10008x128xf32, #tpu.memory_space<vmem_shared>>)
      %add3A_1161 = arith.constant 4 : i32
      %add3A_1162 = arith.addi %add3A_1143, %add3A_1161 : i32
      %sub3A_1163 = arith.constant 1 : i32
      %sub3A_1164 = arith.subi %add3A_1162, %sub3A_1163 : i32
      %mul3A_1165 = arith.constant 160 : i32
      %mul3A_1166 = arith.muli %arg1, %mul3A_1165 : i32
      %add3A_1167 = arith.addi %mul3A_1166, %sub3A_1164 : i32
      %dma_start3A_1168 = arith.constant 2 : i32
      %dma_start3A_1169 = arith.constant 0 : i32
      %dma_start3A_1170 = arith.constant 0 : i32
      %dma_start3A_1171 = tpu.memref_slice %arg3[%arg0, %add3A_1167, %dma_start3A_1169, %dma_start3A_1170] : memref<2x2560x2x64xi32, #tpu.memory_space<hbm>> -> memref<1x1x2x64xi32, #tpu.memory_space<hbm>>
      %dma_start3A_1172 = tpu.memref_squeeze %dma_start3A_1171 : memref<1x1x2x64xi32, #tpu.memory_space<hbm>> -> memref<2x64xi32, #tpu.memory_space<hbm>>
      %dma_start3A_1173 = tpu.memref_slice %arg14[%dma_start3A_1168] : memref<4x!tpu.dma_semaphore, #tpu.memory_space<semaphore_mem>> -> memref<1x!tpu.dma_semaphore, #tpu.memory_space<semaphore_mem>>
      %dma_start3A_1174 = tpu.memref_squeeze %dma_start3A_1173 : memref<1x!tpu.dma_semaphore, #tpu.memory_space<semaphore_mem>> -> memref<!tpu.dma_semaphore, #tpu.memory_space<semaphore_mem>>
      %dma_start3A_1175 = arith.constant 0 : i32
      %dma_start3A_1176 = arith.constant 0 : i32
      %dma_start3A_1177 = tpu.memref_slice %arg3[%arg0, %add3A_1167, %dma_start3A_1175, %dma_start3A_1176] : memref<2x2560x2x64xi32, #tpu.memory_space<hbm>> -> memref<1x1x2x64xi32, #tpu.memory_space<hbm>>
      %dma_start3A_1178 = tpu.memref_squeeze %dma_start3A_1177 : memref<1x1x2x64xi32, #tpu.memory_space<hbm>> -> memref<2x64xi32, #tpu.memory_space<hbm>>
      tpu.enqueue_dma source(%dma_start3A_1178 : memref<2x64xi32, #tpu.memory_space<hbm>>) target(%arg8 : memref<2x64xi32, #tpu.memory_space<vmem>>) target_semaphore(%dma_start3A_1174 : memref<!tpu.dma_semaphore, #tpu.memory_space<semaphore_mem>>)
      %add3A_1179 = arith.constant 4 : i32
      %add3A_1180 = arith.addi %add3A_1143, %add3A_1179 : i32
      %sub3A_1181 = arith.constant 2 : i32
      %sub3A_1182 = arith.subi %add3A_1180, %sub3A_1181 : i32
      %mul3A_1183 = arith.constant 160 : i32
      %mul3A_1184 = arith.muli %arg1, %mul3A_1183 : i32
      %add3A_1185 = arith.addi %mul3A_1184, %sub3A_1182 : i32
      %dma_wait3A_1186 = arith.constant 1 : i32
      %dma_wait3A_1187 = arith.constant 0 : i32
      %dma_wait3A_1188 = arith.constant 0 : i32
      %dma_wait3A_1189 = tpu.memref_slice %arg3[%arg0, %add3A_1185, %dma_wait3A_1187, %dma_wait3A_1188] : memref<2x2560x2x64xi32, #tpu.memory_space<hbm>> -> memref<1x1x2x64xi32, #tpu.memory_space<hbm>>
      %dma_wait3A_1190 = tpu.memref_squeeze %dma_wait3A_1189 : memref<1x1x2x64xi32, #tpu.memory_space<hbm>> -> memref<2x64xi32, #tpu.memory_space<hbm>>
      %dma_wait3A_1191 = tpu.memref_slice %arg14[%dma_wait3A_1186] : memref<4x!tpu.dma_semaphore, #tpu.memory_space<semaphore_mem>> -> memref<1x!tpu.dma_semaphore, #tpu.memory_space<semaphore_mem>>
      %dma_wait3A_1192 = tpu.memref_squeeze %dma_wait3A_1191 : memref<1x!tpu.dma_semaphore, #tpu.memory_space<semaphore_mem>> -> memref<!tpu.dma_semaphore, #tpu.memory_space<semaphore_mem>>
      %dma_wait3A_1193 = arith.constant 0 : i32
      %dma_wait3A_1194 = arith.constant 0 : i32
      %dma_wait3A_1195 = tpu.memref_slice %arg3[%arg0, %add3A_1185, %dma_wait3A_1193, %dma_wait3A_1194] : memref<2x2560x2x64xi32, #tpu.memory_space<hbm>> -> memref<1x1x2x64xi32, #tpu.memory_space<hbm>>
      %dma_wait3A_1196 = tpu.memref_squeeze %dma_wait3A_1195 : memref<1x1x2x64xi32, #tpu.memory_space<hbm>> -> memref<2x64xi32, #tpu.memory_space<hbm>>
      tpu.wait_dma2 semaphore(%dma_wait3A_1192 : memref<!tpu.dma_semaphore, #tpu.memory_space<semaphore_mem>>) src(%dma_wait3A_1196 : memref<2x64xi32, #tpu.memory_space<hbm>>) dst(%arg7 : memref<2x64xi32, #tpu.memory_space<vmem>>)
      %add3A_1197 = arith.constant 4 : i32
      %add3A_1198 = arith.addi %add3A_1143, %add3A_1197 : i32
      %sub3A_1199 = arith.constant 2 : i32
      %sub3A_1200 = arith.subi %add3A_1198, %sub3A_1199 : i32
      %dma_start3A_1201 = arith.constant 0 : i32
      %dma_start3A_1202 = arith.constant 1 : i32
      %dma_start3A_1203 = arith.constant 1 : i32
      %dma_start3A_1204 = arith.constant 0 : i32
      %dma_start3A_1205 = arith.constant 0 : i32
      %dma_start3A_1206 = tpu.memref_slice %arg10[%dma_start3A_1202, %dma_start3A_1204, %dma_start3A_1205] : memref<4x64x128xf32, #tpu.memory_space<vmem>> -> memref<1x64x128xf32, #tpu.memory_space<vmem>>
      %dma_start3A_1207 = tpu.memref_squeeze %dma_start3A_1206 : memref<1x64x128xf32, #tpu.memory_space<vmem>> -> memref<64x128xf32, #tpu.memory_space<vmem>>
      %dma_start3A_1208 = arith.constant 0 : i32
      %dma_start3A_1209 = tpu.memref_slice %arg7[%dma_start3A_1201, %dma_start3A_1208] : memref<2x64xi32, #tpu.memory_space<vmem>> -> memref<1x64xi32, #tpu.memory_space<vmem>>
      %dma_start3A_1210 = tpu.memref_squeeze %dma_start3A_1209 : memref<1x64xi32, #tpu.memory_space<vmem>> -> memref<64xi32, #tpu.memory_space<vmem>>
      %dma_start3A_1211 = arith.constant 0 : i32
      %dma_start3A_1212 = arith.constant 0 : i32
      %dma_start3A_1213 = tpu.memref_slice %arg2[%dma_start3A_1211, %dma_start3A_1212] : memref<20000x128xf32, #tpu.memory_space<hbm>> -> memref<20000x128xf32, #tpu.memory_space<hbm>>
      %dma_start3A_1214 = tpu.memref_slice %arg12[%dma_start3A_1203] : memref<4x!tpu.dma_semaphore, #tpu.memory_space<semaphore_mem>> -> memref<1x!tpu.dma_semaphore, #tpu.memory_space<semaphore_mem>>
      %dma_start3A_1215 = tpu.memref_squeeze %dma_start3A_1214 : memref<1x!tpu.dma_semaphore, #tpu.memory_space<semaphore_mem>> -> memref<!tpu.dma_semaphore, #tpu.memory_space<semaphore_mem>>
      tpu.enqueue_indirect_dma source(%dma_start3A_1213 : memref<20000x128xf32, #tpu.memory_space<hbm>>) target(%dma_start3A_1207 : memref<64x128xf32, #tpu.memory_space<vmem>>) offsets(%dma_start3A_1210 : memref<64xi32, #tpu.memory_space<vmem>>) semaphore(%dma_start3A_1215 : memref<!tpu.dma_semaphore, #tpu.memory_space<semaphore_mem>>)
      %dma_wait3A_1216 = arith.constant 0 : i32
      %dma_wait3A_1217 = arith.constant 3 : i32
      %dma_wait3A_1218 = arith.constant 3 : i32
      %dma_wait3A_1219 = arith.constant 0 : i32
      %dma_wait3A_1220 = arith.constant 0 : i32
      %dma_wait3A_1221 = tpu.memref_slice %arg10[%dma_wait3A_1217, %dma_wait3A_1219, %dma_wait3A_1220] : memref<4x64x128xf32, #tpu.memory_space<vmem>> -> memref<1x64x128xf32, #tpu.memory_space<vmem>>
      %dma_wait3A_1222 = tpu.memref_squeeze %dma_wait3A_1221 : memref<1x64x128xf32, #tpu.memory_space<vmem>> -> memref<64x128xf32, #tpu.memory_space<vmem>>
      %dma_wait3A_1223 = arith.constant 0 : i32
      %dma_wait3A_1224 = tpu.memref_slice %arg9[%dma_wait3A_1216, %dma_wait3A_1223] : memref<2x64xi32, #tpu.memory_space<vmem>> -> memref<1x64xi32, #tpu.memory_space<vmem>>
      %dma_wait3A_1225 = tpu.memref_squeeze %dma_wait3A_1224 : memref<1x64xi32, #tpu.memory_space<vmem>> -> memref<64xi32, #tpu.memory_space<vmem>>
      %dma_wait3A_1226 = arith.constant 0 : i32
      %dma_wait3A_1227 = arith.constant 0 : i32
      %dma_wait3A_1228 = tpu.memref_slice %arg2[%dma_wait3A_1226, %dma_wait3A_1227] : memref<20000x128xf32, #tpu.memory_space<hbm>> -> memref<20000x128xf32, #tpu.memory_space<hbm>>
      %dma_wait3A_1229 = tpu.memref_slice %arg12[%dma_wait3A_1218] : memref<4x!tpu.dma_semaphore, #tpu.memory_space<semaphore_mem>> -> memref<1x!tpu.dma_semaphore, #tpu.memory_space<semaphore_mem>>
      %dma_wait3A_1230 = tpu.memref_squeeze %dma_wait3A_1229 : memref<1x!tpu.dma_semaphore, #tpu.memory_space<semaphore_mem>> -> memref<!tpu.dma_semaphore, #tpu.memory_space<semaphore_mem>>
      tpu.wait_indirect_dma semaphore(%dma_wait3A_1230 : memref<!tpu.dma_semaphore, #tpu.memory_space<semaphore_mem>>) src(%dma_wait3A_1228 : memref<20000x128xf32, #tpu.memory_space<hbm>>) dst(%dma_wait3A_1222 : memref<64x128xf32, #tpu.memory_space<vmem>>)
      %dma_start3A_1231 = arith.constant 3 : i32
      %dma_start3A_1232 = arith.constant 1 : i32
      %dma_start3A_1233 = arith.constant 3 : i32
      %dma_start3A_1234 = arith.constant 0 : i32
      %dma_start3A_1235 = arith.constant 0 : i32
      %dma_start3A_1236 = tpu.memref_slice %arg10[%dma_start3A_1231, %dma_start3A_1234, %dma_start3A_1235] : memref<4x64x128xf32, #tpu.memory_space<vmem>> -> memref<1x64x128xf32, #tpu.memory_space<vmem>>
      %dma_start3A_1237 = tpu.memref_squeeze %dma_start3A_1236 : memref<1x64x128xf32, #tpu.memory_space<vmem>> -> memref<64x128xf32, #tpu.memory_space<vmem>>
      %dma_start3A_1238 = arith.constant 0 : i32
      %dma_start3A_1239 = tpu.memref_slice %arg9[%dma_start3A_1232, %dma_start3A_1238] : memref<2x64xi32, #tpu.memory_space<vmem>> -> memref<1x64xi32, #tpu.memory_space<vmem>>
      %dma_start3A_1240 = tpu.memref_squeeze %dma_start3A_1239 : memref<1x64xi32, #tpu.memory_space<vmem>> -> memref<64xi32, #tpu.memory_space<vmem>>
      %dma_start3A_1241 = arith.constant 0 : i32
      %dma_start3A_1242 = arith.constant 0 : i32
      %dma_start3A_1243 = tpu.memref_slice %arg11[%dma_start3A_1241, %dma_start3A_1242] : memref<10008x128xf32, #tpu.memory_space<vmem_shared>> -> memref<10008x128xf32, #tpu.memory_space<vmem_shared>>
      %dma_start3A_1244 = tpu.memref_slice %arg13[%dma_start3A_1233] : memref<4x!tpu.dma_semaphore, #tpu.memory_space<semaphore_mem>> -> memref<1x!tpu.dma_semaphore, #tpu.memory_space<semaphore_mem>>
      %dma_start3A_1245 = tpu.memref_squeeze %dma_start3A_1244 : memref<1x!tpu.dma_semaphore, #tpu.memory_space<semaphore_mem>> -> memref<!tpu.dma_semaphore, #tpu.memory_space<semaphore_mem>>
      tpu.enqueue_indirect_dma source(%dma_start3A_1237 : memref<64x128xf32, #tpu.memory_space<vmem>>) target(%dma_start3A_1243 : memref<10008x128xf32, #tpu.memory_space<vmem_shared>>) offsets(%dma_start3A_1240 : memref<64xi32, #tpu.memory_space<vmem>>) semaphore(%dma_start3A_1245 : memref<!tpu.dma_semaphore, #tpu.memory_space<semaphore_mem>>) {add = true}
    }
    %scan3A_546 = arith.constant 38 : i32
    %dma_wait3A_547 = arith.constant 3 : i32
    %dma_wait3A_548 = arith.constant 1 : i32
    %dma_wait3A_549 = arith.constant 3 : i32
    %dma_wait3A_550 = arith.constant 0 : i32
    %dma_wait3A_551 = arith.constant 0 : i32
    %dma_wait3A_552 = tpu.memref_slice %arg10[%dma_wait3A_547, %dma_wait3A_550, %dma_wait3A_551] : memref<4x64x128xf32, #tpu.memory_space<vmem>> -> memref<1x64x128xf32, #tpu.memory_space<vmem>>
    %dma_wait3A_553 = tpu.memref_squeeze %dma_wait3A_552 : memref<1x64x128xf32, #tpu.memory_space<vmem>> -> memref<64x128xf32, #tpu.memory_space<vmem>>
    %dma_wait3A_554 = arith.constant 0 : i32
    %dma_wait3A_555 = tpu.memref_slice %arg9[%dma_wait3A_548, %dma_wait3A_554] : memref<2x64xi32, #tpu.memory_space<vmem>> -> memref<1x64xi32, #tpu.memory_space<vmem>>
    %dma_wait3A_556 = tpu.memref_squeeze %dma_wait3A_555 : memref<1x64xi32, #tpu.memory_space<vmem>> -> memref<64xi32, #tpu.memory_space<vmem>>
    %dma_wait3A_557 = arith.constant 0 : i32
    %dma_wait3A_558 = arith.constant 0 : i32
    %dma_wait3A_559 = tpu.memref_slice %arg11[%dma_wait3A_557, %dma_wait3A_558] : memref<10008x128xf32, #tpu.memory_space<vmem_shared>> -> memref<10008x128xf32, #tpu.memory_space<vmem_shared>>
    %dma_wait3A_560 = tpu.memref_slice %arg13[%dma_wait3A_549] : memref<4x!tpu.dma_semaphore, #tpu.memory_space<semaphore_mem>> -> memref<1x!tpu.dma_semaphore, #tpu.memory_space<semaphore_mem>>
    %dma_wait3A_561 = tpu.memref_squeeze %dma_wait3A_560 : memref<1x!tpu.dma_semaphore, #tpu.memory_space<semaphore_mem>> -> memref<!tpu.dma_semaphore, #tpu.memory_space<semaphore_mem>>
    tpu.wait_indirect_dma semaphore(%dma_wait3A_561 : memref<!tpu.dma_semaphore, #tpu.memory_space<semaphore_mem>>) src(%dma_wait3A_553 : memref<64x128xf32, #tpu.memory_space<vmem>>) dst(%dma_wait3A_559 : memref<10008x128xf32, #tpu.memory_space<vmem_shared>>)
    %mul3A_562 = arith.constant 160 : i32
    %mul3A_563 = arith.muli %arg1, %mul3A_562 : i32
    %add3A_564 = arith.constant 159 : i32
    %add3A_565 = arith.addi %mul3A_563, %add3A_564 : i32
    %dma_start3A_566 = arith.constant 3 : i32
    %dma_start3A_567 = arith.constant 0 : i32
    %dma_start3A_568 = arith.constant 0 : i32
    %dma_start3A_569 = tpu.memref_slice %arg3[%arg0, %add3A_565, %dma_start3A_567, %dma_start3A_568] : memref<2x2560x2x64xi32, #tpu.memory_space<hbm>> -> memref<1x1x2x64xi32, #tpu.memory_space<hbm>>
    %dma_start3A_570 = tpu.memref_squeeze %dma_start3A_569 : memref<1x1x2x64xi32, #tpu.memory_space<hbm>> -> memref<2x64xi32, #tpu.memory_space<hbm>>
    %dma_start3A_571 = tpu.memref_slice %arg14[%dma_start3A_566] : memref<4x!tpu.dma_semaphore, #tpu.memory_space<semaphore_mem>> -> memref<1x!tpu.dma_semaphore, #tpu.memory_space<semaphore_mem>>
    %dma_start3A_572 = tpu.memref_squeeze %dma_start3A_571 : memref<1x!tpu.dma_semaphore, #tpu.memory_space<semaphore_mem>> -> memref<!tpu.dma_semaphore, #tpu.memory_space<semaphore_mem>>
    %dma_start3A_573 = arith.constant 0 : i32
    %dma_start3A_574 = arith.constant 0 : i32
    %dma_start3A_575 = tpu.memref_slice %arg3[%arg0, %add3A_565, %dma_start3A_573, %dma_start3A_574] : memref<2x2560x2x64xi32, #tpu.memory_space<hbm>> -> memref<1x1x2x64xi32, #tpu.memory_space<hbm>>
    %dma_start3A_576 = tpu.memref_squeeze %dma_start3A_575 : memref<1x1x2x64xi32, #tpu.memory_space<hbm>> -> memref<2x64xi32, #tpu.memory_space<hbm>>
    tpu.enqueue_dma source(%dma_start3A_576 : memref<2x64xi32, #tpu.memory_space<hbm>>) target(%arg9 : memref<2x64xi32, #tpu.memory_space<vmem>>) target_semaphore(%dma_start3A_572 : memref<!tpu.dma_semaphore, #tpu.memory_space<semaphore_mem>>)
    %mul3A_577 = arith.constant 160 : i32
    %mul3A_578 = arith.muli %arg1, %mul3A_577 : i32
    %add3A_579 = arith.constant 158 : i32
    %add3A_580 = arith.addi %mul3A_578, %add3A_579 : i32
    %dma_wait3A_581 = arith.constant 2 : i32
    %dma_wait3A_582 = arith.constant 0 : i32
    %dma_wait3A_583 = arith.constant 0 : i32
    %dma_wait3A_584 = tpu.memref_slice %arg3[%arg0, %add3A_580, %dma_wait3A_582, %dma_wait3A_583] : memref<2x2560x2x64xi32, #tpu.memory_space<hbm>> -> memref<1x1x2x64xi32, #tpu.memory_space<hbm>>
    %dma_wait3A_585 = tpu.memref_squeeze %dma_wait3A_584 : memref<1x1x2x64xi32, #tpu.memory_space<hbm>> -> memref<2x64xi32, #tpu.memory_space<hbm>>
    %dma_wait3A_586 = tpu.memref_slice %arg14[%dma_wait3A_581] : memref<4x!tpu.dma_semaphore, #tpu.memory_space<semaphore_mem>> -> memref<1x!tpu.dma_semaphore, #tpu.memory_space<semaphore_mem>>
    %dma_wait3A_587 = tpu.memref_squeeze %dma_wait3A_586 : memref<1x!tpu.dma_semaphore, #tpu.memory_space<semaphore_mem>> -> memref<!tpu.dma_semaphore, #tpu.memory_space<semaphore_mem>>
    %dma_wait3A_588 = arith.constant 0 : i32
    %dma_wait3A_589 = arith.constant 0 : i32
    %dma_wait3A_590 = tpu.memref_slice %arg3[%arg0, %add3A_580, %dma_wait3A_588, %dma_wait3A_589] : memref<2x2560x2x64xi32, #tpu.memory_space<hbm>> -> memref<1x1x2x64xi32, #tpu.memory_space<hbm>>
    %dma_wait3A_591 = tpu.memref_squeeze %dma_wait3A_590 : memref<1x1x2x64xi32, #tpu.memory_space<hbm>> -> memref<2x64xi32, #tpu.memory_space<hbm>>
    tpu.wait_dma2 semaphore(%dma_wait3A_587 : memref<!tpu.dma_semaphore, #tpu.memory_space<semaphore_mem>>) src(%dma_wait3A_591 : memref<2x64xi32, #tpu.memory_space<hbm>>) dst(%arg8 : memref<2x64xi32, #tpu.memory_space<vmem>>)
    %dma_start3A_592 = arith.constant 0 : i32
    %dma_start3A_593 = arith.constant 2 : i32
    %dma_start3A_594 = arith.constant 2 : i32
    %dma_start3A_595 = arith.constant 0 : i32
    %dma_start3A_596 = arith.constant 0 : i32
    %dma_start3A_597 = tpu.memref_slice %arg10[%dma_start3A_593, %dma_start3A_595, %dma_start3A_596] : memref<4x64x128xf32, #tpu.memory_space<vmem>> -> memref<1x64x128xf32, #tpu.memory_space<vmem>>
    %dma_start3A_598 = tpu.memref_squeeze %dma_start3A_597 : memref<1x64x128xf32, #tpu.memory_space<vmem>> -> memref<64x128xf32, #tpu.memory_space<vmem>>
    %dma_start3A_599 = arith.constant 0 : i32
    %dma_start3A_600 = tpu.memref_slice %arg8[%dma_start3A_592, %dma_start3A_599] : memref<2x64xi32, #tpu.memory_space<vmem>> -> memref<1x64xi32, #tpu.memory_space<vmem>>
    %dma_start3A_601 = tpu.memref_squeeze %dma_start3A_600 : memref<1x64xi32, #tpu.memory_space<vmem>> -> memref<64xi32, #tpu.memory_space<vmem>>
    %dma_start3A_602 = arith.constant 0 : i32
    %dma_start3A_603 = arith.constant 0 : i32
    %dma_start3A_604 = tpu.memref_slice %arg2[%dma_start3A_602, %dma_start3A_603] : memref<20000x128xf32, #tpu.memory_space<hbm>> -> memref<20000x128xf32, #tpu.memory_space<hbm>>
    %dma_start3A_605 = tpu.memref_slice %arg12[%dma_start3A_594] : memref<4x!tpu.dma_semaphore, #tpu.memory_space<semaphore_mem>> -> memref<1x!tpu.dma_semaphore, #tpu.memory_space<semaphore_mem>>
    %dma_start3A_606 = tpu.memref_squeeze %dma_start3A_605 : memref<1x!tpu.dma_semaphore, #tpu.memory_space<semaphore_mem>> -> memref<!tpu.dma_semaphore, #tpu.memory_space<semaphore_mem>>
    tpu.enqueue_indirect_dma source(%dma_start3A_604 : memref<20000x128xf32, #tpu.memory_space<hbm>>) target(%dma_start3A_598 : memref<64x128xf32, #tpu.memory_space<vmem>>) offsets(%dma_start3A_601 : memref<64xi32, #tpu.memory_space<vmem>>) semaphore(%dma_start3A_606 : memref<!tpu.dma_semaphore, #tpu.memory_space<semaphore_mem>>)
    %dma_wait3A_607 = arith.constant 0 : i32
    %dma_wait3A_608 = arith.constant 0 : i32
    %dma_wait3A_609 = arith.constant 0 : i32
    %dma_wait3A_610 = arith.constant 0 : i32
    %dma_wait3A_611 = arith.constant 0 : i32
    %dma_wait3A_612 = tpu.memref_slice %arg10[%dma_wait3A_608, %dma_wait3A_610, %dma_wait3A_611] : memref<4x64x128xf32, #tpu.memory_space<vmem>> -> memref<1x64x128xf32, #tpu.memory_space<vmem>>
    %dma_wait3A_613 = tpu.memref_squeeze %dma_wait3A_612 : memref<1x64x128xf32, #tpu.memory_space<vmem>> -> memref<64x128xf32, #tpu.memory_space<vmem>>
    %dma_wait3A_614 = arith.constant 0 : i32
    %dma_wait3A_615 = tpu.memref_slice %arg6[%dma_wait3A_607, %dma_wait3A_614] : memref<2x64xi32, #tpu.memory_space<vmem>> -> memref<1x64xi32, #tpu.memory_space<vmem>>
    %dma_wait3A_616 = tpu.memref_squeeze %dma_wait3A_615 : memref<1x64xi32, #tpu.memory_space<vmem>> -> memref<64xi32, #tpu.memory_space<vmem>>
    %dma_wait3A_617 = arith.constant 0 : i32
    %dma_wait3A_618 = arith.constant 0 : i32
    %dma_wait3A_619 = tpu.memref_slice %arg2[%dma_wait3A_617, %dma_wait3A_618] : memref<20000x128xf32, #tpu.memory_space<hbm>> -> memref<20000x128xf32, #tpu.memory_space<hbm>>
    %dma_wait3A_620 = tpu.memref_slice %arg12[%dma_wait3A_609] : memref<4x!tpu.dma_semaphore, #tpu.memory_space<semaphore_mem>> -> memref<1x!tpu.dma_semaphore, #tpu.memory_space<semaphore_mem>>
    %dma_wait3A_621 = tpu.memref_squeeze %dma_wait3A_620 : memref<1x!tpu.dma_semaphore, #tpu.memory_space<semaphore_mem>> -> memref<!tpu.dma_semaphore, #tpu.memory_space<semaphore_mem>>
    tpu.wait_indirect_dma semaphore(%dma_wait3A_621 : memref<!tpu.dma_semaphore, #tpu.memory_space<semaphore_mem>>) src(%dma_wait3A_619 : memref<20000x128xf32, #tpu.memory_space<hbm>>) dst(%dma_wait3A_613 : memref<64x128xf32, #tpu.memory_space<vmem>>)
    %dma_start3A_622 = arith.constant 0 : i32
    %dma_start3A_623 = arith.constant 1 : i32
    %dma_start3A_624 = arith.constant 0 : i32
    %dma_start3A_625 = arith.constant 0 : i32
    %dma_start3A_626 = arith.constant 0 : i32
    %dma_start3A_627 = tpu.memref_slice %arg10[%dma_start3A_622, %dma_start3A_625, %dma_start3A_626] : memref<4x64x128xf32, #tpu.memory_space<vmem>> -> memref<1x64x128xf32, #tpu.memory_space<vmem>>
    %dma_start3A_628 = tpu.memref_squeeze %dma_start3A_627 : memref<1x64x128xf32, #tpu.memory_space<vmem>> -> memref<64x128xf32, #tpu.memory_space<vmem>>
    %dma_start3A_629 = arith.constant 0 : i32
    %dma_start3A_630 = tpu.memref_slice %arg6[%dma_start3A_623, %dma_start3A_629] : memref<2x64xi32, #tpu.memory_space<vmem>> -> memref<1x64xi32, #tpu.memory_space<vmem>>
    %dma_start3A_631 = tpu.memref_squeeze %dma_start3A_630 : memref<1x64xi32, #tpu.memory_space<vmem>> -> memref<64xi32, #tpu.memory_space<vmem>>
    %dma_start3A_632 = arith.constant 0 : i32
    %dma_start3A_633 = arith.constant 0 : i32
    %dma_start3A_634 = tpu.memref_slice %arg11[%dma_start3A_632, %dma_start3A_633] : memref<10008x128xf32, #tpu.memory_space<vmem_shared>> -> memref<10008x128xf32, #tpu.memory_space<vmem_shared>>
    %dma_start3A_635 = tpu.memref_slice %arg13[%dma_start3A_624] : memref<4x!tpu.dma_semaphore, #tpu.memory_space<semaphore_mem>> -> memref<1x!tpu.dma_semaphore, #tpu.memory_space<semaphore_mem>>
    %dma_start3A_636 = tpu.memref_squeeze %dma_start3A_635 : memref<1x!tpu.dma_semaphore, #tpu.memory_space<semaphore_mem>> -> memref<!tpu.dma_semaphore, #tpu.memory_space<semaphore_mem>>
    tpu.enqueue_indirect_dma source(%dma_start3A_628 : memref<64x128xf32, #tpu.memory_space<vmem>>) target(%dma_start3A_634 : memref<10008x128xf32, #tpu.memory_space<vmem_shared>>) offsets(%dma_start3A_631 : memref<64xi32, #tpu.memory_space<vmem>>) semaphore(%dma_start3A_636 : memref<!tpu.dma_semaphore, #tpu.memory_space<semaphore_mem>>) {add = true}
    %dma_wait3A_637 = arith.constant 0 : i32
    %dma_wait3A_638 = arith.constant 1 : i32
    %dma_wait3A_639 = arith.constant 0 : i32
    %dma_wait3A_640 = arith.constant 0 : i32
    %dma_wait3A_641 = arith.constant 0 : i32
    %dma_wait3A_642 = tpu.memref_slice %arg10[%dma_wait3A_637, %dma_wait3A_640, %dma_wait3A_641] : memref<4x64x128xf32, #tpu.memory_space<vmem>> -> memref<1x64x128xf32, #tpu.memory_space<vmem>>
    %dma_wait3A_643 = tpu.memref_squeeze %dma_wait3A_642 : memref<1x64x128xf32, #tpu.memory_space<vmem>> -> memref<64x128xf32, #tpu.memory_space<vmem>>
    %dma_wait3A_644 = arith.constant 0 : i32
    %dma_wait3A_645 = tpu.memref_slice %arg6[%dma_wait3A_638, %dma_wait3A_644] : memref<2x64xi32, #tpu.memory_space<vmem>> -> memref<1x64xi32, #tpu.memory_space<vmem>>
    %dma_wait3A_646 = tpu.memref_squeeze %dma_wait3A_645 : memref<1x64xi32, #tpu.memory_space<vmem>> -> memref<64xi32, #tpu.memory_space<vmem>>
    %dma_wait3A_647 = arith.constant 0 : i32
    %dma_wait3A_648 = arith.constant 0 : i32
    %dma_wait3A_649 = tpu.memref_slice %arg11[%dma_wait3A_647, %dma_wait3A_648] : memref<10008x128xf32, #tpu.memory_space<vmem_shared>> -> memref<10008x128xf32, #tpu.memory_space<vmem_shared>>
    %dma_wait3A_650 = tpu.memref_slice %arg13[%dma_wait3A_639] : memref<4x!tpu.dma_semaphore, #tpu.memory_space<semaphore_mem>> -> memref<1x!tpu.dma_semaphore, #tpu.memory_space<semaphore_mem>>
    %dma_wait3A_651 = tpu.memref_squeeze %dma_wait3A_650 : memref<1x!tpu.dma_semaphore, #tpu.memory_space<semaphore_mem>> -> memref<!tpu.dma_semaphore, #tpu.memory_space<semaphore_mem>>
    tpu.wait_indirect_dma semaphore(%dma_wait3A_651 : memref<!tpu.dma_semaphore, #tpu.memory_space<semaphore_mem>>) src(%dma_wait3A_643 : memref<64x128xf32, #tpu.memory_space<vmem>>) dst(%dma_wait3A_649 : memref<10008x128xf32, #tpu.memory_space<vmem_shared>>)
    %mul3A_652 = arith.constant 160 : i32
    %mul3A_653 = arith.muli %arg1, %mul3A_652 : i32
    %add3A_654 = arith.constant 159 : i32
    %add3A_655 = arith.addi %mul3A_653, %add3A_654 : i32
    %dma_wait3A_656 = arith.constant 3 : i32
    %dma_wait3A_657 = arith.constant 0 : i32
    %dma_wait3A_658 = arith.constant 0 : i32
    %dma_wait3A_659 = tpu.memref_slice %arg3[%arg0, %add3A_655, %dma_wait3A_657, %dma_wait3A_658] : memref<2x2560x2x64xi32, #tpu.memory_space<hbm>> -> memref<1x1x2x64xi32, #tpu.memory_space<hbm>>
    %dma_wait3A_660 = tpu.memref_squeeze %dma_wait3A_659 : memref<1x1x2x64xi32, #tpu.memory_space<hbm>> -> memref<2x64xi32, #tpu.memory_space<hbm>>
    %dma_wait3A_661 = tpu.memref_slice %arg14[%dma_wait3A_656] : memref<4x!tpu.dma_semaphore, #tpu.memory_space<semaphore_mem>> -> memref<1x!tpu.dma_semaphore, #tpu.memory_space<semaphore_mem>>
    %dma_wait3A_662 = tpu.memref_squeeze %dma_wait3A_661 : memref<1x!tpu.dma_semaphore, #tpu.memory_space<semaphore_mem>> -> memref<!tpu.dma_semaphore, #tpu.memory_space<semaphore_mem>>
    %dma_wait3A_663 = arith.constant 0 : i32
    %dma_wait3A_664 = arith.constant 0 : i32
    %dma_wait3A_665 = tpu.memref_slice %arg3[%arg0, %add3A_655, %dma_wait3A_663, %dma_wait3A_664] : memref<2x2560x2x64xi32, #tpu.memory_space<hbm>> -> memref<1x1x2x64xi32, #tpu.memory_space<hbm>>
    %dma_wait3A_666 = tpu.memref_squeeze %dma_wait3A_665 : memref<1x1x2x64xi32, #tpu.memory_space<hbm>> -> memref<2x64xi32, #tpu.memory_space<hbm>>
    tpu.wait_dma2 semaphore(%dma_wait3A_662 : memref<!tpu.dma_semaphore, #tpu.memory_space<semaphore_mem>>) src(%dma_wait3A_666 : memref<2x64xi32, #tpu.memory_space<hbm>>) dst(%arg9 : memref<2x64xi32, #tpu.memory_space<vmem>>)
    %dma_start3A_667 = arith.constant 0 : i32
    %dma_start3A_668 = arith.constant 3 : i32
    %dma_start3A_669 = arith.constant 3 : i32
    %dma_start3A_670 = arith.constant 0 : i32
    %dma_start3A_671 = arith.constant 0 : i32
    %dma_start3A_672 = tpu.memref_slice %arg10[%dma_start3A_668, %dma_start3A_670, %dma_start3A_671] : memref<4x64x128xf32, #tpu.memory_space<vmem>> -> memref<1x64x128xf32, #tpu.memory_space<vmem>>
    %dma_start3A_673 = tpu.memref_squeeze %dma_start3A_672 : memref<1x64x128xf32, #tpu.memory_space<vmem>> -> memref<64x128xf32, #tpu.memory_space<vmem>>
    %dma_start3A_674 = arith.constant 0 : i32
    %dma_start3A_675 = tpu.memref_slice %arg9[%dma_start3A_667, %dma_start3A_674] : memref<2x64xi32, #tpu.memory_space<vmem>> -> memref<1x64xi32, #tpu.memory_space<vmem>>
    %dma_start3A_676 = tpu.memref_squeeze %dma_start3A_675 : memref<1x64xi32, #tpu.memory_space<vmem>> -> memref<64xi32, #tpu.memory_space<vmem>>
    %dma_start3A_677 = arith.constant 0 : i32
    %dma_start3A_678 = arith.constant 0 : i32
    %dma_start3A_679 = tpu.memref_slice %arg2[%dma_start3A_677, %dma_start3A_678] : memref<20000x128xf32, #tpu.memory_space<hbm>> -> memref<20000x128xf32, #tpu.memory_space<hbm>>
    %dma_start3A_680 = tpu.memref_slice %arg12[%dma_start3A_669] : memref<4x!tpu.dma_semaphore, #tpu.memory_space<semaphore_mem>> -> memref<1x!tpu.dma_semaphore, #tpu.memory_space<semaphore_mem>>
    %dma_start3A_681 = tpu.memref_squeeze %dma_start3A_680 : memref<1x!tpu.dma_semaphore, #tpu.memory_space<semaphore_mem>> -> memref<!tpu.dma_semaphore, #tpu.memory_space<semaphore_mem>>
    tpu.enqueue_indirect_dma source(%dma_start3A_679 : memref<20000x128xf32, #tpu.memory_space<hbm>>) target(%dma_start3A_673 : memref<64x128xf32, #tpu.memory_space<vmem>>) offsets(%dma_start3A_676 : memref<64xi32, #tpu.memory_space<vmem>>) semaphore(%dma_start3A_681 : memref<!tpu.dma_semaphore, #tpu.memory_space<semaphore_mem>>)
    %dma_wait3A_682 = arith.constant 0 : i32
    %dma_wait3A_683 = arith.constant 1 : i32
    %dma_wait3A_684 = arith.constant 1 : i32
    %dma_wait3A_685 = arith.constant 0 : i32
    %dma_wait3A_686 = arith.constant 0 : i32
    %dma_wait3A_687 = tpu.memref_slice %arg10[%dma_wait3A_683, %dma_wait3A_685, %dma_wait3A_686] : memref<4x64x128xf32, #tpu.memory_space<vmem>> -> memref<1x64x128xf32, #tpu.memory_space<vmem>>
    %dma_wait3A_688 = tpu.memref_squeeze %dma_wait3A_687 : memref<1x64x128xf32, #tpu.memory_space<vmem>> -> memref<64x128xf32, #tpu.memory_space<vmem>>
    %dma_wait3A_689 = arith.constant 0 : i32
    %dma_wait3A_690 = tpu.memref_slice %arg7[%dma_wait3A_682, %dma_wait3A_689] : memref<2x64xi32, #tpu.memory_space<vmem>> -> memref<1x64xi32, #tpu.memory_space<vmem>>
    %dma_wait3A_691 = tpu.memref_squeeze %dma_wait3A_690 : memref<1x64xi32, #tpu.memory_space<vmem>> -> memref<64xi32, #tpu.memory_space<vmem>>
    %dma_wait3A_692 = arith.constant 0 : i32
    %dma_wait3A_693 = arith.constant 0 : i32
    %dma_wait3A_694 = tpu.memref_slice %arg2[%dma_wait3A_692, %dma_wait3A_693] : memref<20000x128xf32, #tpu.memory_space<hbm>> -> memref<20000x128xf32, #tpu.memory_space<hbm>>
    %dma_wait3A_695 = tpu.memref_slice %arg12[%dma_wait3A_684] : memref<4x!tpu.dma_semaphore, #tpu.memory_space<semaphore_mem>> -> memref<1x!tpu.dma_semaphore, #tpu.memory_space<semaphore_mem>>
    %dma_wait3A_696 = tpu.memref_squeeze %dma_wait3A_695 : memref<1x!tpu.dma_semaphore, #tpu.memory_space<semaphore_mem>> -> memref<!tpu.dma_semaphore, #tpu.memory_space<semaphore_mem>>
    tpu.wait_indirect_dma semaphore(%dma_wait3A_696 : memref<!tpu.dma_semaphore, #tpu.memory_space<semaphore_mem>>) src(%dma_wait3A_694 : memref<20000x128xf32, #tpu.memory_space<hbm>>) dst(%dma_wait3A_688 : memref<64x128xf32, #tpu.memory_space<vmem>>)
    %dma_start3A_697 = arith.constant 1 : i32
    %dma_start3A_698 = arith.constant 1 : i32
    %dma_start3A_699 = arith.constant 1 : i32
    %dma_start3A_700 = arith.constant 0 : i32
    %dma_start3A_701 = arith.constant 0 : i32
    %dma_start3A_702 = tpu.memref_slice %arg10[%dma_start3A_697, %dma_start3A_700, %dma_start3A_701] : memref<4x64x128xf32, #tpu.memory_space<vmem>> -> memref<1x64x128xf32, #tpu.memory_space<vmem>>
    %dma_start3A_703 = tpu.memref_squeeze %dma_start3A_702 : memref<1x64x128xf32, #tpu.memory_space<vmem>> -> memref<64x128xf32, #tpu.memory_space<vmem>>
    %dma_start3A_704 = arith.constant 0 : i32
    %dma_start3A_705 = tpu.memref_slice %arg7[%dma_start3A_698, %dma_start3A_704] : memref<2x64xi32, #tpu.memory_space<vmem>> -> memref<1x64xi32, #tpu.memory_space<vmem>>
    %dma_start3A_706 = tpu.memref_squeeze %dma_start3A_705 : memref<1x64xi32, #tpu.memory_space<vmem>> -> memref<64xi32, #tpu.memory_space<vmem>>
    %dma_start3A_707 = arith.constant 0 : i32
    %dma_start3A_708 = arith.constant 0 : i32
    %dma_start3A_709 = tpu.memref_slice %arg11[%dma_start3A_707, %dma_start3A_708] : memref<10008x128xf32, #tpu.memory_space<vmem_shared>> -> memref<10008x128xf32, #tpu.memory_space<vmem_shared>>
    %dma_start3A_710 = tpu.memref_slice %arg13[%dma_start3A_699] : memref<4x!tpu.dma_semaphore, #tpu.memory_space<semaphore_mem>> -> memref<1x!tpu.dma_semaphore, #tpu.memory_space<semaphore_mem>>
    %dma_start3A_711 = tpu.memref_squeeze %dma_start3A_710 : memref<1x!tpu.dma_semaphore, #tpu.memory_space<semaphore_mem>> -> memref<!tpu.dma_semaphore, #tpu.memory_space<semaphore_mem>>
    tpu.enqueue_indirect_dma source(%dma_start3A_703 : memref<64x128xf32, #tpu.memory_space<vmem>>) target(%dma_start3A_709 : memref<10008x128xf32, #tpu.memory_space<vmem_shared>>) offsets(%dma_start3A_706 : memref<64xi32, #tpu.memory_space<vmem>>) semaphore(%dma_start3A_711 : memref<!tpu.dma_semaphore, #tpu.memory_space<semaphore_mem>>) {add = true}
    %dma_wait3A_712 = arith.constant 1 : i32
    %dma_wait3A_713 = arith.constant 1 : i32
    %dma_wait3A_714 = arith.constant 1 : i32
    %dma_wait3A_715 = arith.constant 0 : i32
    %dma_wait3A_716 = arith.constant 0 : i32
    %dma_wait3A_717 = tpu.memref_slice %arg10[%dma_wait3A_712, %dma_wait3A_715, %dma_wait3A_716] : memref<4x64x128xf32, #tpu.memory_space<vmem>> -> memref<1x64x128xf32, #tpu.memory_space<vmem>>
    %dma_wait3A_718 = tpu.memref_squeeze %dma_wait3A_717 : memref<1x64x128xf32, #tpu.memory_space<vmem>> -> memref<64x128xf32, #tpu.memory_space<vmem>>
    %dma_wait3A_719 = arith.constant 0 : i32
    %dma_wait3A_720 = tpu.memref_slice %arg7[%dma_wait3A_713, %dma_wait3A_719] : memref<2x64xi32, #tpu.memory_space<vmem>> -> memref<1x64xi32, #tpu.memory_space<vmem>>
    %dma_wait3A_721 = tpu.memref_squeeze %dma_wait3A_720 : memref<1x64xi32, #tpu.memory_space<vmem>> -> memref<64xi32, #tpu.memory_space<vmem>>
    %dma_wait3A_722 = arith.constant 0 : i32
    %dma_wait3A_723 = arith.constant 0 : i32
    %dma_wait3A_724 = tpu.memref_slice %arg11[%dma_wait3A_722, %dma_wait3A_723] : memref<10008x128xf32, #tpu.memory_space<vmem_shared>> -> memref<10008x128xf32, #tpu.memory_space<vmem_shared>>
    %dma_wait3A_725 = tpu.memref_slice %arg13[%dma_wait3A_714] : memref<4x!tpu.dma_semaphore, #tpu.memory_space<semaphore_mem>> -> memref<1x!tpu.dma_semaphore, #tpu.memory_space<semaphore_mem>>
    %dma_wait3A_726 = tpu.memref_squeeze %dma_wait3A_725 : memref<1x!tpu.dma_semaphore, #tpu.memory_space<semaphore_mem>> -> memref<!tpu.dma_semaphore, #tpu.memory_space<semaphore_mem>>
    tpu.wait_indirect_dma semaphore(%dma_wait3A_726 : memref<!tpu.dma_semaphore, #tpu.memory_space<semaphore_mem>>) src(%dma_wait3A_718 : memref<64x128xf32, #tpu.memory_space<vmem>>) dst(%dma_wait3A_724 : memref<10008x128xf32, #tpu.memory_space<vmem_shared>>)
    %dma_wait3A_727 = arith.constant 0 : i32
    %dma_wait3A_728 = arith.constant 2 : i32
    %dma_wait3A_729 = arith.constant 2 : i32
    %dma_wait3A_730 = arith.constant 0 : i32
    %dma_wait3A_731 = arith.constant 0 : i32
    %dma_wait3A_732 = tpu.memref_slice %arg10[%dma_wait3A_728, %dma_wait3A_730, %dma_wait3A_731] : memref<4x64x128xf32, #tpu.memory_space<vmem>> -> memref<1x64x128xf32, #tpu.memory_space<vmem>>
    %dma_wait3A_733 = tpu.memref_squeeze %dma_wait3A_732 : memref<1x64x128xf32, #tpu.memory_space<vmem>> -> memref<64x128xf32, #tpu.memory_space<vmem>>
    %dma_wait3A_734 = arith.constant 0 : i32
    %dma_wait3A_735 = tpu.memref_slice %arg8[%dma_wait3A_727, %dma_wait3A_734] : memref<2x64xi32, #tpu.memory_space<vmem>> -> memref<1x64xi32, #tpu.memory_space<vmem>>
    %dma_wait3A_736 = tpu.memref_squeeze %dma_wait3A_735 : memref<1x64xi32, #tpu.memory_space<vmem>> -> memref<64xi32, #tpu.memory_space<vmem>>
    %dma_wait3A_737 = arith.constant 0 : i32
    %dma_wait3A_738 = arith.constant 0 : i32
    %dma_wait3A_739 = tpu.memref_slice %arg2[%dma_wait3A_737, %dma_wait3A_738] : memref<20000x128xf32, #tpu.memory_space<hbm>> -> memref<20000x128xf32, #tpu.memory_space<hbm>>
    %dma_wait3A_740 = tpu.memref_slice %arg12[%dma_wait3A_729] : memref<4x!tpu.dma_semaphore, #tpu.memory_space<semaphore_mem>> -> memref<1x!tpu.dma_semaphore, #tpu.memory_space<semaphore_mem>>
    %dma_wait3A_741 = tpu.memref_squeeze %dma_wait3A_740 : memref<1x!tpu.dma_semaphore, #tpu.memory_space<semaphore_mem>> -> memref<!tpu.dma_semaphore, #tpu.memory_space<semaphore_mem>>
    tpu.wait_indirect_dma semaphore(%dma_wait3A_741 : memref<!tpu.dma_semaphore, #tpu.memory_space<semaphore_mem>>) src(%dma_wait3A_739 : memref<20000x128xf32, #tpu.memory_space<hbm>>) dst(%dma_wait3A_733 : memref<64x128xf32, #tpu.memory_space<vmem>>)
    %dma_start3A_742 = arith.constant 2 : i32
    %dma_start3A_743 = arith.constant 1 : i32
    %dma_start3A_744 = arith.constant 2 : i32
    %dma_start3A_745 = arith.constant 0 : i32
    %dma_start3A_746 = arith.constant 0 : i32
    %dma_start3A_747 = tpu.memref_slice %arg10[%dma_start3A_742, %dma_start3A_745, %dma_start3A_746] : memref<4x64x128xf32, #tpu.memory_space<vmem>> -> memref<1x64x128xf32, #tpu.memory_space<vmem>>
    %dma_start3A_748 = tpu.memref_squeeze %dma_start3A_747 : memref<1x64x128xf32, #tpu.memory_space<vmem>> -> memref<64x128xf32, #tpu.memory_space<vmem>>
    %dma_start3A_749 = arith.constant 0 : i32
    %dma_start3A_750 = tpu.memref_slice %arg8[%dma_start3A_743, %dma_start3A_749] : memref<2x64xi32, #tpu.memory_space<vmem>> -> memref<1x64xi32, #tpu.memory_space<vmem>>
    %dma_start3A_751 = tpu.memref_squeeze %dma_start3A_750 : memref<1x64xi32, #tpu.memory_space<vmem>> -> memref<64xi32, #tpu.memory_space<vmem>>
    %dma_start3A_752 = arith.constant 0 : i32
    %dma_start3A_753 = arith.constant 0 : i32
    %dma_start3A_754 = tpu.memref_slice %arg11[%dma_start3A_752, %dma_start3A_753] : memref<10008x128xf32, #tpu.memory_space<vmem_shared>> -> memref<10008x128xf32, #tpu.memory_space<vmem_shared>>
    %dma_start3A_755 = tpu.memref_slice %arg13[%dma_start3A_744] : memref<4x!tpu.dma_semaphore, #tpu.memory_space<semaphore_mem>> -> memref<1x!tpu.dma_semaphore, #tpu.memory_space<semaphore_mem>>
    %dma_start3A_756 = tpu.memref_squeeze %dma_start3A_755 : memref<1x!tpu.dma_semaphore, #tpu.memory_space<semaphore_mem>> -> memref<!tpu.dma_semaphore, #tpu.memory_space<semaphore_mem>>
    tpu.enqueue_indirect_dma source(%dma_start3A_748 : memref<64x128xf32, #tpu.memory_space<vmem>>) target(%dma_start3A_754 : memref<10008x128xf32, #tpu.memory_space<vmem_shared>>) offsets(%dma_start3A_751 : memref<64xi32, #tpu.memory_space<vmem>>) semaphore(%dma_start3A_756 : memref<!tpu.dma_semaphore, #tpu.memory_space<semaphore_mem>>) {add = true}
    %dma_wait3A_757 = arith.constant 2 : i32
    %dma_wait3A_758 = arith.constant 1 : i32
    %dma_wait3A_759 = arith.constant 2 : i32
    %dma_wait3A_760 = arith.constant 0 : i32
    %dma_wait3A_761 = arith.constant 0 : i32
    %dma_wait3A_762 = tpu.memref_slice %arg10[%dma_wait3A_757, %dma_wait3A_760, %dma_wait3A_761] : memref<4x64x128xf32, #tpu.memory_space<vmem>> -> memref<1x64x128xf32, #tpu.memory_space<vmem>>
    %dma_wait3A_763 = tpu.memref_squeeze %dma_wait3A_762 : memref<1x64x128xf32, #tpu.memory_space<vmem>> -> memref<64x128xf32, #tpu.memory_space<vmem>>
    %dma_wait3A_764 = arith.constant 0 : i32
    %dma_wait3A_765 = tpu.memref_slice %arg8[%dma_wait3A_758, %dma_wait3A_764] : memref<2x64xi32, #tpu.memory_space<vmem>> -> memref<1x64xi32, #tpu.memory_space<vmem>>
    %dma_wait3A_766 = tpu.memref_squeeze %dma_wait3A_765 : memref<1x64xi32, #tpu.memory_space<vmem>> -> memref<64xi32, #tpu.memory_space<vmem>>
    %dma_wait3A_767 = arith.constant 0 : i32
    %dma_wait3A_768 = arith.constant 0 : i32
    %dma_wait3A_769 = tpu.memref_slice %arg11[%dma_wait3A_767, %dma_wait3A_768] : memref<10008x128xf32, #tpu.memory_space<vmem_shared>> -> memref<10008x128xf32, #tpu.memory_space<vmem_shared>>
    %dma_wait3A_770 = tpu.memref_slice %arg13[%dma_wait3A_759] : memref<4x!tpu.dma_semaphore, #tpu.memory_space<semaphore_mem>> -> memref<1x!tpu.dma_semaphore, #tpu.memory_space<semaphore_mem>>
    %dma_wait3A_771 = tpu.memref_squeeze %dma_wait3A_770 : memref<1x!tpu.dma_semaphore, #tpu.memory_space<semaphore_mem>> -> memref<!tpu.dma_semaphore, #tpu.memory_space<semaphore_mem>>
    tpu.wait_indirect_dma semaphore(%dma_wait3A_771 : memref<!tpu.dma_semaphore, #tpu.memory_space<semaphore_mem>>) src(%dma_wait3A_763 : memref<64x128xf32, #tpu.memory_space<vmem>>) dst(%dma_wait3A_769 : memref<10008x128xf32, #tpu.memory_space<vmem_shared>>)
    %dma_wait3A_772 = arith.constant 0 : i32
    %dma_wait3A_773 = arith.constant 3 : i32
    %dma_wait3A_774 = arith.constant 3 : i32
    %dma_wait3A_775 = arith.constant 0 : i32
    %dma_wait3A_776 = arith.constant 0 : i32
    %dma_wait3A_777 = tpu.memref_slice %arg10[%dma_wait3A_773, %dma_wait3A_775, %dma_wait3A_776] : memref<4x64x128xf32, #tpu.memory_space<vmem>> -> memref<1x64x128xf32, #tpu.memory_space<vmem>>
    %dma_wait3A_778 = tpu.memref_squeeze %dma_wait3A_777 : memref<1x64x128xf32, #tpu.memory_space<vmem>> -> memref<64x128xf32, #tpu.memory_space<vmem>>
    %dma_wait3A_779 = arith.constant 0 : i32
    %dma_wait3A_780 = tpu.memref_slice %arg9[%dma_wait3A_772, %dma_wait3A_779] : memref<2x64xi32, #tpu.memory_space<vmem>> -> memref<1x64xi32, #tpu.memory_space<vmem>>
    %dma_wait3A_781 = tpu.memref_squeeze %dma_wait3A_780 : memref<1x64xi32, #tpu.memory_space<vmem>> -> memref<64xi32, #tpu.memory_space<vmem>>
    %dma_wait3A_782 = arith.constant 0 : i32
    %dma_wait3A_783 = arith.constant 0 : i32
    %dma_wait3A_784 = tpu.memref_slice %arg2[%dma_wait3A_782, %dma_wait3A_783] : memref<20000x128xf32, #tpu.memory_space<hbm>> -> memref<20000x128xf32, #tpu.memory_space<hbm>>
    %dma_wait3A_785 = tpu.memref_slice %arg12[%dma_wait3A_774] : memref<4x!tpu.dma_semaphore, #tpu.memory_space<semaphore_mem>> -> memref<1x!tpu.dma_semaphore, #tpu.memory_space<semaphore_mem>>
    %dma_wait3A_786 = tpu.memref_squeeze %dma_wait3A_785 : memref<1x!tpu.dma_semaphore, #tpu.memory_space<semaphore_mem>> -> memref<!tpu.dma_semaphore, #tpu.memory_space<semaphore_mem>>
    tpu.wait_indirect_dma semaphore(%dma_wait3A_786 : memref<!tpu.dma_semaphore, #tpu.memory_space<semaphore_mem>>) src(%dma_wait3A_784 : memref<20000x128xf32, #tpu.memory_space<hbm>>) dst(%dma_wait3A_778 : memref<64x128xf32, #tpu.memory_space<vmem>>)
    %dma_start3A_787 = arith.constant 3 : i32
    %dma_start3A_788 = arith.constant 1 : i32
    %dma_start3A_789 = arith.constant 3 : i32
    %dma_start3A_790 = arith.constant 0 : i32
    %dma_start3A_791 = arith.constant 0 : i32
    %dma_start3A_792 = tpu.memref_slice %arg10[%dma_start3A_787, %dma_start3A_790, %dma_start3A_791] : memref<4x64x128xf32, #tpu.memory_space<vmem>> -> memref<1x64x128xf32, #tpu.memory_space<vmem>>
    %dma_start3A_793 = tpu.memref_squeeze %dma_start3A_792 : memref<1x64x128xf32, #tpu.memory_space<vmem>> -> memref<64x128xf32, #tpu.memory_space<vmem>>
    %dma_start3A_794 = arith.constant 0 : i32
    %dma_start3A_795 = tpu.memref_slice %arg9[%dma_start3A_788, %dma_start3A_794] : memref<2x64xi32, #tpu.memory_space<vmem>> -> memref<1x64xi32, #tpu.memory_space<vmem>>
    %dma_start3A_796 = tpu.memref_squeeze %dma_start3A_795 : memref<1x64xi32, #tpu.memory_space<vmem>> -> memref<64xi32, #tpu.memory_space<vmem>>
    %dma_start3A_797 = arith.constant 0 : i32
    %dma_start3A_798 = arith.constant 0 : i32
    %dma_start3A_799 = tpu.memref_slice %arg11[%dma_start3A_797, %dma_start3A_798] : memref<10008x128xf32, #tpu.memory_space<vmem_shared>> -> memref<10008x128xf32, #tpu.memory_space<vmem_shared>>
    %dma_start3A_800 = tpu.memref_slice %arg13[%dma_start3A_789] : memref<4x!tpu.dma_semaphore, #tpu.memory_space<semaphore_mem>> -> memref<1x!tpu.dma_semaphore, #tpu.memory_space<semaphore_mem>>
    %dma_start3A_801 = tpu.memref_squeeze %dma_start3A_800 : memref<1x!tpu.dma_semaphore, #tpu.memory_space<semaphore_mem>> -> memref<!tpu.dma_semaphore, #tpu.memory_space<semaphore_mem>>
    tpu.enqueue_indirect_dma source(%dma_start3A_793 : memref<64x128xf32, #tpu.memory_space<vmem>>) target(%dma_start3A_799 : memref<10008x128xf32, #tpu.memory_space<vmem_shared>>) offsets(%dma_start3A_796 : memref<64xi32, #tpu.memory_space<vmem>>) semaphore(%dma_start3A_801 : memref<!tpu.dma_semaphore, #tpu.memory_space<semaphore_mem>>) {add = true}
    %dma_wait3A_802 = arith.constant 3 : i32
    %dma_wait3A_803 = arith.constant 1 : i32
    %dma_wait3A_804 = arith.constant 3 : i32
    %dma_wait3A_805 = arith.constant 0 : i32
    %dma_wait3A_806 = arith.constant 0 : i32
    %dma_wait3A_807 = tpu.memref_slice %arg10[%dma_wait3A_802, %dma_wait3A_805, %dma_wait3A_806] : memref<4x64x128xf32, #tpu.memory_space<vmem>> -> memref<1x64x128xf32, #tpu.memory_space<vmem>>
    %dma_wait3A_808 = tpu.memref_squeeze %dma_wait3A_807 : memref<1x64x128xf32, #tpu.memory_space<vmem>> -> memref<64x128xf32, #tpu.memory_space<vmem>>
    %dma_wait3A_809 = arith.constant 0 : i32
    %dma_wait3A_810 = tpu.memref_slice %arg9[%dma_wait3A_803, %dma_wait3A_809] : memref<2x64xi32, #tpu.memory_space<vmem>> -> memref<1x64xi32, #tpu.memory_space<vmem>>
    %dma_wait3A_811 = tpu.memref_squeeze %dma_wait3A_810 : memref<1x64xi32, #tpu.memory_space<vmem>> -> memref<64xi32, #tpu.memory_space<vmem>>
    %dma_wait3A_812 = arith.constant 0 : i32
    %dma_wait3A_813 = arith.constant 0 : i32
    %dma_wait3A_814 = tpu.memref_slice %arg11[%dma_wait3A_812, %dma_wait3A_813] : memref<10008x128xf32, #tpu.memory_space<vmem_shared>> -> memref<10008x128xf32, #tpu.memory_space<vmem_shared>>
    %dma_wait3A_815 = tpu.memref_slice %arg13[%dma_wait3A_804] : memref<4x!tpu.dma_semaphore, #tpu.memory_space<semaphore_mem>> -> memref<1x!tpu.dma_semaphore, #tpu.memory_space<semaphore_mem>>
    %dma_wait3A_816 = tpu.memref_squeeze %dma_wait3A_815 : memref<1x!tpu.dma_semaphore, #tpu.memory_space<semaphore_mem>> -> memref<!tpu.dma_semaphore, #tpu.memory_space<semaphore_mem>>
    tpu.wait_indirect_dma semaphore(%dma_wait3A_816 : memref<!tpu.dma_semaphore, #tpu.memory_space<semaphore_mem>>) src(%dma_wait3A_808 : memref<64x128xf32, #tpu.memory_space<vmem>>) dst(%dma_wait3A_814 : memref<10008x128xf32, #tpu.memory_space<vmem_shared>>)
    %barrier3A_817 = arith.constant 0 : index
    tpu.barrier barrier_id(%barrier3A_817)
    %mul3A_818 = arith.constant 624 : i32
    %mul3A_819 = arith.muli %arg1, %mul3A_818 : i32
    %mul3A_820 = arith.constant 624 : i32
    %mul3A_821 = arith.muli %arg1, %mul3A_820 : i32
    "tpu.region"() ({
      %run_scoped3A = tpu.sem_alloc : memref<!tpu.dma_semaphore, #tpu.memory_space<semaphore_mem>>
      %dma_start3A_822 = arith.constant 0 : i32
      %dma_start3A_823 = tpu.memref_slice %arg5[%arg0, %mul3A_821, %dma_start3A_822] : memref<2x10000x128xf32, #tpu.memory_space<hbm>> -> memref<1x640x128xf32, #tpu.memory_space<hbm>>
      %dma_start3A_824 = tpu.memref_squeeze %dma_start3A_823 : memref<1x640x128xf32, #tpu.memory_space<hbm>> -> memref<640x128xf32, #tpu.memory_space<hbm>>
      %dma_start3A_825 = arith.constant 0 : i32
      %dma_start3A_826 = tpu.memref_slice %arg11[%mul3A_819, %dma_start3A_825] : memref<10008x128xf32, #tpu.memory_space<vmem_shared>> -> memref<640x128xf32, #tpu.memory_space<vmem_shared>>
      tpu.enqueue_dma source(%dma_start3A_826 : memref<640x128xf32, #tpu.memory_space<vmem_shared>>) target(%dma_start3A_824 : memref<640x128xf32, #tpu.memory_space<hbm>>) target_semaphore(%run_scoped3A : memref<!tpu.dma_semaphore, #tpu.memory_space<semaphore_mem>>)
      %dma_wait3A_827 = arith.constant 0 : i32
      %dma_wait3A_828 = tpu.memref_slice %arg5[%arg0, %mul3A_821, %dma_wait3A_827] : memref<2x10000x128xf32, #tpu.memory_space<hbm>> -> memref<1x640x128xf32, #tpu.memory_space<hbm>>
      %dma_wait3A_829 = tpu.memref_squeeze %dma_wait3A_828 : memref<1x640x128xf32, #tpu.memory_space<hbm>> -> memref<640x128xf32, #tpu.memory_space<hbm>>
      %dma_wait3A_830 = arith.constant 0 : i32
      %dma_wait3A_831 = tpu.memref_slice %arg11[%mul3A_819, %dma_wait3A_830] : memref<10008x128xf32, #tpu.memory_space<vmem_shared>> -> memref<640x128xf32, #tpu.memory_space<vmem_shared>>
      tpu.wait_dma2 semaphore(%run_scoped3A : memref<!tpu.dma_semaphore, #tpu.memory_space<semaphore_mem>>) src(%dma_wait3A_831 : memref<640x128xf32, #tpu.memory_space<vmem_shared>>) dst(%dma_wait3A_829 : memref<640x128xf32, #tpu.memory_space<hbm>>)
      tpu.yield
    }) : () -> ()
    return
  }
}

module attributes {stable_mosaic.version = 14 : i64} {
  func.func @_tc_final_body(%arg0: i32, %arg1: memref<1000x256xf32, #tpu.memory_space<vmem>>, %arg2: memref<2x1000x128xf32, #tpu.memory_space<vmem>>, %arg3: memref<1000x1xf32, #tpu.memory_space<vmem>>, %arg4: memref<2x128x256xf32, #tpu.memory_space<vmem>>, %arg5: memref<256x256xf32, #tpu.memory_space<vmem>>, %arg6: memref<1000x256xf32, #tpu.memory_space<vmem>>) attributes {dimension_semantics = [#tpu.dimension_semantics<arbitrary>], iteration_bounds = array<i64: 10>, scalar_prefetch = 0 : i64, scratch_operands = 0 : i64, tpu.core_type = #tpu.core_type<tc>, window_params = [{transform_indices = @transform_0, window_bounds = array<i64: 1000, 256>}, {transform_indices = @transform_1, window_bounds = array<i64: 2, 1000, 128>}, {transform_indices = @transform_2, window_bounds = array<i64: 1000, 1>}, {pipeline_mode = #tpu.pipeline_mode<synchronous>, transform_indices = @transform_3, window_bounds = array<i64: 2, 128, 256>}, {pipeline_mode = #tpu.pipeline_mode<synchronous>, transform_indices = @transform_4, window_bounds = array<i64: 256, 256>}, {transform_indices = @transform_5, window_bounds = array<i64: 1000, 256>}]} {
    %get3A = arith.constant 0 : index
    %get3A_0 = arith.constant 0 : index
    %get3A_1 = vector.load %arg3[%get3A, %get3A_0] : memref<1000x1xf32, #tpu.memory_space<vmem>>, vector<1000x1xf32>
    %div3A = arith.constant 1.000000e+00 : f32
    %div3A_2 = vector.broadcast %div3A : f32 to vector<1000x1xf32>
    %div3A_3 = arith.divf %div3A_2, %get3A_1 : vector<1000x1xf32>
    %get3A_4 = arith.constant 0 : index
    %get3A_5 = arith.constant 0 : index
    %get3A_6 = vector.load %arg1[%get3A_4, %get3A_5] : memref<1000x256xf32, #tpu.memory_space<vmem>>, vector<1000x256xf32>
    %get3A_7 = arith.constant 0 : index
    %get3A_8 = arith.constant 0 : index
    %get3A_9 = vector.load %arg5[%get3A_7, %get3A_8] : memref<256x256xf32, #tpu.memory_space<vmem>>, vector<256x256xf32>
    %dot_general3A = arith.constant dense<0.000000e+00> : vector<1000x256xf32>
    %dot_general3A_10 = tpu.matmul %get3A_6, %get3A_9, %dot_general3A {dimension_numbers = #tpu.dot_dimension_numbers<[1], [0], [0], [1], [0, 0, 1, 1], [], []>, transpose_lhs_hint = false} : vector<1000x256xf32>, vector<256x256xf32>, vector<1000x256xf32> -> vector<1000x256xf32>
    %get3A_11 = arith.constant 0 : index
    %get3A_12 = arith.constant 0 : index
    %get3A_13 = arith.constant 0 : index
    %get3A_14 = vector.load %arg2[%get3A_11, %get3A_12, %get3A_13] : memref<2x1000x128xf32, #tpu.memory_space<vmem>>, vector<1x1000x128xf32>
    %get3A_15 = vector.shape_cast %get3A_14 : vector<1x1000x128xf32> to vector<1000x128xf32>
    %mul3A = vector.broadcast %div3A_3 : vector<1000x1xf32> to vector<1000x128xf32>
    %mul3A_16 = arith.mulf %get3A_15, %mul3A : vector<1000x128xf32>
    %get3A_17 = arith.constant 0 : index
    %get3A_18 = arith.constant 0 : index
    %get3A_19 = arith.constant 0 : index
    %get3A_20 = vector.load %arg4[%get3A_17, %get3A_18, %get3A_19] : memref<2x128x256xf32, #tpu.memory_space<vmem>>, vector<1x128x256xf32>
    %get3A_21 = vector.shape_cast %get3A_20 : vector<1x128x256xf32> to vector<128x256xf32>
    %dot_general3A_22 = arith.constant dense<0.000000e+00> : vector<1000x256xf32>
    %dot_general3A_23 = tpu.matmul %mul3A_16, %get3A_21, %dot_general3A_22 {dimension_numbers = #tpu.dot_dimension_numbers<[1], [0], [0], [1], [0, 0, 1, 1], [], []>, transpose_lhs_hint = false} : vector<1000x128xf32>, vector<128x256xf32>, vector<1000x256xf32> -> vector<1000x256xf32>
    %add3A = arith.addf %dot_general3A_10, %dot_general3A_23 : vector<1000x256xf32>
    %get3A_24 = arith.constant 1 : index
    %get3A_25 = arith.constant 0 : index
    %get3A_26 = arith.constant 0 : index
    %get3A_27 = vector.load %arg2[%get3A_24, %get3A_25, %get3A_26] : memref<2x1000x128xf32, #tpu.memory_space<vmem>>, vector<1x1000x128xf32>
    %get3A_28 = vector.shape_cast %get3A_27 : vector<1x1000x128xf32> to vector<1000x128xf32>
    %mul3A_29 = vector.broadcast %div3A_3 : vector<1000x1xf32> to vector<1000x128xf32>
    %mul3A_30 = arith.mulf %get3A_28, %mul3A_29 : vector<1000x128xf32>
    %get3A_31 = arith.constant 1 : index
    %get3A_32 = arith.constant 0 : index
    %get3A_33 = arith.constant 0 : index
    %get3A_34 = vector.load %arg4[%get3A_31, %get3A_32, %get3A_33] : memref<2x128x256xf32, #tpu.memory_space<vmem>>, vector<1x128x256xf32>
    %get3A_35 = vector.shape_cast %get3A_34 : vector<1x128x256xf32> to vector<128x256xf32>
    %dot_general3A_36 = arith.constant dense<0.000000e+00> : vector<1000x256xf32>
    %dot_general3A_37 = tpu.matmul %mul3A_30, %get3A_35, %dot_general3A_36 {dimension_numbers = #tpu.dot_dimension_numbers<[1], [0], [0], [1], [0, 0, 1, 1], [], []>, transpose_lhs_hint = false} : vector<1000x128xf32>, vector<128x256xf32>, vector<1000x256xf32> -> vector<1000x256xf32>
    %add3A_38 = arith.addf %add3A, %dot_general3A_37 : vector<1000x256xf32>
    %swap3A = arith.constant 0 : index
    %swap3A_39 = arith.constant 0 : index
    %swap3A_40 = vector.load %arg6[%swap3A, %swap3A_39] : memref<1000x256xf32, #tpu.memory_space<vmem>>, vector<1000x256xf32>
    tpu.vector_store %arg6[%swap3A, %swap3A_39], %add3A_38 {strides = array<i32>} : memref<1000x256xf32, #tpu.memory_space<vmem>>, vector<1000x256xf32>,
    return
  }
  func.func @transform_0(%arg0: i32) -> (i32, i32) {
    %c0_i32 = arith.constant 0 : i32
    %c0_i32_0 = arith.constant 0 : i32
    return %arg0, %c0_i32 : i32, i32
  }
  func.func @transform_1(%arg0: i32) -> (i32, i32, i32) {
    %c0_i32 = arith.constant 0 : i32
    %c0_i32_0 = arith.constant 0 : i32
    %c0_i32_1 = arith.constant 0 : i32
    return %c0_i32, %arg0, %c0_i32_0 : i32, i32, i32
  }
  func.func @transform_2(%arg0: i32) -> (i32, i32) {
    %c0_i32 = arith.constant 0 : i32
    %c0_i32_0 = arith.constant 0 : i32
    return %arg0, %c0_i32 : i32, i32
  }
  func.func @transform_3(%arg0: i32) -> (i32, i32, i32) {
    %c0_i32 = arith.constant 0 : i32
    %c0_i32_0 = arith.constant 0 : i32
    %c0_i32_1 = arith.constant 0 : i32
    %c0_i32_2 = arith.constant 0 : i32
    return %c0_i32, %c0_i32_0, %c0_i32_1 : i32, i32, i32
  }
  func.func @transform_4(%arg0: i32) -> (i32, i32) {
    %c0_i32 = arith.constant 0 : i32
    %c0_i32_0 = arith.constant 0 : i32
    %c0_i32_1 = arith.constant 0 : i32
    return %c0_i32, %c0_i32_0 : i32, i32
  }
  func.func @transform_5(%arg0: i32) -> (i32, i32) {
    %c0_i32 = arith.constant 0 : i32
    %c0_i32_0 = arith.constant 0 : i32
    return %arg0, %c0_i32 : i32, i32
  }
}

</mosaic_0001>

<sc_bundles>
// kernel: kernel.4.cloned.1.call-start
scs
__scs_entry_jumppad:
0x0: {  	(pc) =	sbr.rel $0x88, $3  }
0x1: {  	(tag) =	ssettag $0x0;
	lr =	simm.s32 $0x1  }
0x2: {  	[smem:$0x3F9C] =	sst lr;
	_ =	strace $0xD0000000  }
0x3: {  	_ = 	snop  }
0x4: {  	_ = 	snop  }
0x5: {  	_ = 	snop  }
0x6: {  	_ = 	snop  }
0x7: {  	_ = 	snop  }
__scs_overlays_trampoline_lowered:
0x8: {  	[smem:$0x3FAB] =	sst s0  }
0x9: {  	[smem:$0x3FAC] =	sst s1  }
0xa: {  	[smem:$0x3FAD] =	sst s2  }
0xb: {  	[smem:$0x3FAE] =	sst s3  }
0xc: {  	[smem:$0x3FAF] =	sst s4  }
0xd: {  	[smem:$0x3FB0] =	sst s5  }
0xe: {  	[smem:$0x3FB1] =	sst s6  }
0xf: {  	[smem:$0x3FB2] =	sst s7  }
0x10: {  	[smem:$0x3FB3] =	sst s8  }
0x11: {  	[smem:$0x3FB4] =	sst s9;
	s0 =	simm.s32 @!p0 $0x0  }
0x12: {  	s1 =	sld [smem:$0x3F9A];
	s0 =	simm.s32 @p0 $0x1  }
0x13: {  	[smem:$0x3FB5] =	sst s0;
	s0 =	simm.s32 @!p1 $0x0  }
0x14: {  	s2 =	sld [smem:$0x3F99];
	s0 =	simm.s32 @p1 $0x1  }
0x15: {  	[smem:$0x3FB6] =	sst s0;
	s0 =	simm.s32 @!p2 $0x0  }
0x16: {  	s3 =	sld [smem:$0x3FDB];
	s0 =	simm.s32 @p2 $0x1  }
0x17: {  	s4 =	simm.s32 $0x1BF5;
	[smem:$0x3FB8] =	sst s0  }
0x18: {  	s0 =	sld [smem:$0x3F9B];
	_ =	swait.ge [sflag:s4], $0x0  }
0x19: {  	s7 =	sld [smem:$0x3F9C]  }
0x1a: {  	s8 =	sadd.s32 $0xFFFFE003, lr  }
0x1b: {  	s9 =	sadd.s32 $0xFFFFFEF7, lr;
	s5 =	simm.s32 $0xFFFFFFFF;
	p2 =	slt.u32 s8, $0xFFFFF086  }
0x1c: {  	p1 =	slt.u32 s9, $0xF7A;
	s5 =	simm.s32 @!p2 $0x0  }
0x1d: {  	s5 =	simm.s32 @p1 $0x1;
	p0 =	seq.s32 s7, s2  }
0x1e: {  	s7 =	smul.u32 @!p0 $0xF7A, s2;
	p2 =	seq.s32 @!p0 s5, $0x0  }
0x1f: {  	s9 =	smul.u32 $0xF7A, s1;
	s8 =	simm.s32 @!p0 $0x1BF5;
	p2 =	por !p2, p0  }
0x20: {  	[sflag:s8] =	ssyncset.s32 @!p0 $0xFFFFF086;
	s6 =	sadd.s32 @!p0 s3, s7;
	s7 =	simm.s32 @!p0 $0x108  }
0x21: {  	s3 =	sadd.s32 s3, s9;
	s6 =	sadd.s32 @!p0 $0x88, s6;
	s7 =	simm.s32 @p2 $0x1082  }
0x22: {  	[simem:s7], [sflag:s8] =	dma.local @!p0 [hbm:s6], $0xF7A  }
0x23: {  	s9 =	sor.u32 $0xD0000000, s2;
	s6 =	simm.s32 $0x108;
	_ =	swait.ge @!p0 [sflag:s8], $0x0  }
0x24: {  	s3 =	sadd.s32 $0x88, s3;
	s6 =	simm.s32 @!p1 $0x1082;
	[sflag:s4] =	ssyncset.s32 $0xFFFFF086  }
0x25: {  	[simem:s6], [sflag:s4] =	dma.local [hbm:s3], $0xF7A  }
0x26: {  	[smem:$0x3F9C] =	sst s1;
	(tag) =	ssettag s2;
	_ =	strace s9  }
0x27: {  	s1 =	sld [smem:$0x3FAC]  }
0x28: {  	s2 =	sld [smem:$0x3FAD]  }
0x29: {  	s4 =	sld [smem:$0x3FAF]  }
0x2a: {  	p0 =	seq.s32 s5, $0x0;
	s5 =	sld [smem:$0x3FB0]  }
0x2b: {  	s6 =	sld [smem:$0x3FB1]  }
0x2c: {  	s7 =	sld [smem:$0x3FB2]  }
0x2d: {  	s3 =	simm.s32 $0x108;
	s8 =	sld [smem:$0x3FB3]  }
0x2e: {  	s3 =	simm.s32 @!p0 $0x1082;
	s9 =	sld [smem:$0x3FB4]  }
0x2f: {  	lr =	sadd.s32 s0, s3;
	s0 =	sld [smem:$0x3FAB]  }
0x30: {  	s3 =	sld [smem:$0x3FAE]  }
0x31: {  	[smem:$0x3FB7] =	sst s10  }
0x32: {  	s10 =	sld [smem:$0x3FB5];
	_ =	sdelay $0x3  }
0x33: {  	p0 =	seq.s32 s10, $0x1;
	s10 =	sld [smem:$0x3FB7];
	_ =	sdelay $0x3  }
0x34: {  	[smem:$0x3FB7] =	sst s10  }
0x35: {  	s10 =	sld [smem:$0x3FB6];
	_ =	sdelay $0x3  }
0x36: {  	p1 =	seq.s32 s10, $0x1;
	s10 =	sld [smem:$0x3FB7];
	_ =	sdelay $0x3  }
0x37: {  	[smem:$0x3FB7] =	sst s10  }
0x38: {  	s10 =	sld [smem:$0x3FB8]  }
0x39: {  	_ = 	snop;
	(pc) =	sbr.ind lr, $3  }
0x3a: {  	_ = 	snop  }
0x3b: {  	_ = 	snop  }
0x3c: {  	p2 =	seq.s32 s10, $0x1;
	s10 =	sld [smem:$0x3FB7]  }
0x3d: {  	_ =	shalt  }
0x3e: {  	_ =	shalt  }
0x3f: {  	_ =	shalt  }
0x40: {  	_ =	shalt  }
0x41: {  	_ =	shalt  }
0x42: {  	_ =	shalt  }
0x43: {  	_ =	shalt  }
0x44: {  	_ =	shalt  }
0x45: {  	_ =	shalt  }
0x46: {  	_ =	shalt  }
0x47: {  	_ =	shalt  }
0x48: {  	_ =	shalt  }
0x49: {  	_ =	shalt  }
0x4a: {  	_ =	shalt  }
0x4b: {  	_ =	shalt  }
0x4c: {  	_ =	shalt  }
0x4d: {  	_ =	shalt  }
0x4e: {  	_ =	shalt  }
0x4f: {  	_ =	shalt  }
0x50: {  	_ =	shalt  }
0x51: {  	_ =	shalt  }
0x52: {  	_ =	shalt  }
0x53: {  	_ =	shalt  }
0x54: {  	_ =	shalt  }
0x55: {  	_ =	shalt  }
0x56: {  	_ =	shalt  }
0x57: {  	_ =	shalt  }
0x58: {  	_ =	shalt  }
0x59: {  	_ =	shalt  }
0x5a: {  	_ =	shalt  }
0x5b: {  	_ =	shalt  }
0x5c: {  	_ =	shalt  }
0x5d: {  	_ =	shalt  }
0x5e: {  	_ =	shalt  }
0x5f: {  	_ =	shalt  }
0x60: {  	_ =	shalt  }
0x61: {  	_ =	shalt  }
0x62: {  	_ =	shalt  }
0x63: {  	_ =	shalt  }
0x64: {  	_ =	shalt  }
0x65: {  	_ =	shalt  }
0x66: {  	_ =	shalt  }
0x67: {  	_ =	shalt  }
0x68: {  	_ =	shalt  }
0x69: {  	_ =	shalt  }
0x6a: {  	_ =	shalt  }
0x6b: {  	_ =	shalt  }
0x6c: {  	_ =	shalt  }
0x6d: {  	_ =	shalt  }
0x6e: {  	_ =	shalt  }
0x6f: {  	_ =	shalt  }
0x70: {  	_ =	shalt  }
0x71: {  	_ =	shalt  }
0x72: {  	_ =	shalt  }
0x73: {  	_ =	shalt  }
0x74: {  	_ =	shalt  }
0x75: {  	_ =	shalt  }
0x76: {  	_ =	shalt  }
0x77: {  	_ =	shalt  }
0x78: {  	_ =	shalt  }
0x79: {  	_ =	shalt  }
0x7a: {  	_ =	shalt  }
0x7b: {  	_ =	shalt  }
0x7c: {  	_ =	shalt  }
0x7d: {  	_ =	shalt  }
0x7e: {  	_ =	shalt  }
0x7f: {  	_ =	shalt  }
0x80: {  	_ =	shalt  }
0x81: {  	_ =	shalt  }
0x82: {  	_ =	shalt  }
0x83: {  	_ =	shalt  }
0x84: {  	_ =	shalt  }
0x85: {  	_ =	shalt  }
0x86: {  	_ =	shalt  }
0x87: {  	_ =	shalt  }
.Lfunc_end0:
.L_simem_size_0:
called_computation_lowered:
.L_overlay_start_0:
0x88: {  	s2 =	sld [smem:$0x3FD9]  }
0x89: {  	s3 =	sld [smem:$0x3FFE];
	_ =	sdelay $0x1  }
0x8a: {  	s1 =	srdreg.scid  }
0x8b: {  	s0 =	sand.u32 $0x1, s1  }
0x8c: {  	s17 =	sshll.u32 s0, $0xA;
	s2 =	sadd.s32 s3, s2  }
0x8d: {  	s2 =	sadd.s32 s2, s17  }
0x8e: {  	[smem:$0x3FC3] =	sst s2  }
0x8f: {  	_ = 	snop  }
0x90: {  	s2 =	sld [smem:$0x3FD0];
	(tm) =	ssettm $0x1  }
0x91: {  	s18 =	sld [smem:$0x3FFB];
	_ =	sdelay $0x3  }
0x92: {  	_ =	strace s18  }
0x93: {  	s3 =	sld [smem:$0x3FFC];
	_ =	sdelay $0x3  }
0x94: {  	_ =	strace s3  }
0x95: {  	s3 =	sld [smem:$0x3FFD];
	_ =	sdelay $0x3  }
0x96: {  	_ =	strace s3  }
0x97: {  	_ =	strace $0x8FFFFFFF  }
0x98: {  	s19 =	sld [smem:$0x3FDB];
	_ =	sdelay $0x1  }
0x99: {  	s4 =	simm.s32 $_scs_section_size  }
0x9a: {  	s5 =	simm.s32 $_size__tile_overlayer_lowered;
	s6 =	simm.s32 $_tile_overlayer_lowered  }
0x9b: {  	s22 =	simm.s32 $0x1BFF;
	s21 =	sshll.u32 s6, $0x1;
	s3 =	sadd.s32 s4, s19  }
0x9c: {  	s7 =	simm.s32 $0x0;
	s20 =	sshll.u32 s5, $0x1;
	s5 =	sadd.s32 s21, s3  }
0x9d: {  	[timem:s7], [sflag:s22] =	dma.local [hbm:s5], s20  }
0x9e: {  	_ =	swait.ge [sflag:s22], s20  }
0x9f: {  	s4 =	ssub.s32 $0x0, s20;
	[sflag:s22] =	ssyncset.done $0x0  }
0xa0: {  	[sflag:s22] =	ssyncadd.s32 s4;
	_ =	sdelay $0x1  }
0xa1: {  	s23 =	simm.s32 $0x1B8B  }
0xa2: {  	_ =	swait.ge [sflag:s23], $0x1  }
0xa3: {  	[sflag:s23] =	ssyncset.done $0x0  }
0xa4: {  	s25 =	simm.s32 $0x1B8E;
	s24 =	sld [smem:$0x3FFE];
	[sflag:s23] =	ssyncadd.s32 $0xFFFFFFFF  }
0xa5: {  	s26 =	simm.s32 $execute0_lowered;
	[smem:$0x3FD2] =	sst s25  }
0xa6: {  	s5 =	sshll.u32 s26, $0x1;
	_ =	strace $0x80000046;
	[dreg:$0x1] =	wrdreg $0xFFFFFFFF  }
0xa7: {  	s28 =	simm.s32 $_size_execute0_lowered;
	s3 =	sadd.s32 s3, s5;
	[dreg:$0x0] =	wrdreg $0x0  }
0xa8: {  	s5 =	sshll.u32 s28, $0x1;
	[dreg:$0x2] =	wrdreg s3  }
0xa9: {  	[dreg:$0x3] =	wrdreg s5  }
0xaa: {  	[dreg:$0x4] =	wrdreg $0xC0  }
0xab: {  	_ =	task [dreg:s7], $0x5FFFF  }
0xac: {  	[dreg:$0x1] =	wrdreg $0xFFFFFFFF  }
0xad: {  	[dreg:$0x0] =	wrdreg $0x60  }
0xae: {  	[dreg:$0x2] =	wrdreg s2  }
0xaf: {  	[dreg:$0x3] =	wrdreg s24  }
0xb0: {  	[dreg:$0x4] =	wrdreg $0x84000  }
0xb1: {  	[dreg:$0x5] =	wrdreg $0x9  }
0xb2: {  	_ =	task.clear_ibuf [dreg:s7], $0x6FFFF;
	_ =	strace $0x90000046  }
0xb3: {  	s29 =	simm.s32 $0x9;
	_ =	strace $0x80000048  }
0xb4: {  	_ =	swait.ge [sflag:s29], $0x1  }
0xb5: {  	[sflag:s29] =	ssyncadd.s32 $0xFFFFFFFF  }
0xb6: {  	_ =	strace $0x90000048  }
0xb7: {  	_ =	sfence  }
0xb8: {  	s30 =	sld [smem:$0x0];
	_ =	sdelay $0x2  }
0xb9: {  	s31 =	sshll.u32 s1, $0xD;
	s1 =	sshrl.u32 s1, $0x2  }
0xba: {  	s3 =	sand.u32 $0x4000, s31;
	s1 =	sadd.s32 s1, s30  }
0xbb: {  	s0 =	sor.u32 s3, s0;
	s1 =	sshll.u32 s1, $0x11  }
0xbc: {  	s0 =	sor.u32 s1, s0  }
0xbd: {  	s0 =	sadd.s32 $0x8F2B, s0  }
0xbe: {  	[sflag:s0] =	ssyncadd.remote.s32 $0x1  }
0xbf: {  	_ =	sfence.sel $0xFFFF  }
0xc0: {  	[dreg:$0x0] =	wrdreg $0xFFFFFFFF;
	(pc) =	sbr.abs _section_cstart, $3  }
0xc1: {  	[dreg:$0x1] =	wrdreg $0xFFFFFFFF  }
0xc2: {  	_ =	task.clear_ibuf [dreg:s7], $0x2FFFF;
	_ =	strace $0x9FFFFFFF  }
0xc3: {  	(tm) =	ssettm $0x7FFFFFFF  }
tec
execute0_lowered:
.L_overlay_start_1:
0x0: {  	(tag) =	ssettag $0x1  }
0x1: {  	s1 =	rddreg [dreg:$0x0]  }
0x2: {  	s0 =	rddreg [dreg:$0x1]  }
0x3: {  	s2 =	rddreg [dreg:$0x2];
	s3 =	srdreg.scid  }
0x4: {  	s4 =	simm.s32 $0x0;
	s9 =	stileid.u32;
	s28 =	simm.s32 $0x100  }
0x5: {  	s29 =	simm.s32 $0x200;
	s30 =	simm.s32 $0x9;
	s6 =	smul.u32 $0x13800, s9  }
0x6: {  	s31 =	simm.s32 $0x40;
	s3 =	sand.u32 $0x1, s3;
	s17 =	smul.u32 $0x4E000, s9  }
0x7: {  	[smem:$0x7FF] =	sst s4;
	s10 =	sshll.u32 s9, $0x6;
	s9 =	smul.u32 $0xA000, s9  }
0x8: {  	s7 =	sadd.s32 $0x400, s0;
	s8 =	sadd.s32 $0x28400, s0;
	s5 =	smul.u32 $0x138800, s3  }
0x9: {  	_ =	strace $0x80000047;
	[dreg:$0x8] =	wrdreg s8;
	s16 =	ssub.s32 $0x2, s3  }
0xa: {  	s3 =	smul.u32 $0xA0000, s3;
	[dreg:$0x9] =	wrdreg s10;
	s19 =	sor.u32 $0x1C0D, s10  }
0xb: {  	s18 =	sshrl.u32 s16, $0x1;
	s8 =	sshrl.u32 s17, $0x2;
	[dreg:$0xb] =	wrdreg s19  }
0xc: {  	s5 =	sadd.s32 s6, s5;
	s14 =	sadd.s32 s8, s2;
	s3 =	sadd.s32 s9, s3  }
0xd: {  	s5 =	sshrl.u32 s5, $0x3;
	s6 =	sadd.s32 $0x2800, s14;
	s8 =	sadd.s32 $0x5000, s14  }
0xe: {  	s9 =	sadd.s32 $0x7800, s14;
	s10 =	sadd.s32 $0xA000, s14;
	s11 =	sshrl.u32 s3, $0x3  }
0xf: {  	s12 =	sadd.s32 $0xC800, s14;
	s13 =	sadd.s32 $0xF000, s14;
	[dreg:$0xa] =	wrdreg s14  }
0x10: {  	s21 =	sor.u32 $0xA00, s3;
	s24 =	sor.u32 $0x800, s3;
	s0 =	sadd.s32 s5, s0  }
0x11: {  	s5 =	ssub.s32 s16, s18;
	s16 =	sadd.s32 s7, s11;
	s11 =	sadd.s32 $0x11800, s14  }
0x12: {  	s14 =	sshrl.u32 s21, $0x3;
	s21 =	sshrl.u32 s8, $0x3;
	[dreg:$0xc] =	wrdreg s16  }
0x13: {  	s25 =	sshrl.u32 s24, $0x3;
	s24 =	sshrl.u32 s12, $0x3;
	[dreg:$0x17] =	wrdreg s21  }
0x14: {  	s22 =	sor.u32 $0x900, s3;
	s20 =	sadd.s32 $0x20, s16;
	[dreg:$0x1a] =	wrdreg s24  }
0x15: {  	s3 =	sor.u32 $0x700, s3;
	s15 =	sadd.s32 $0x40, s16;
	[dreg:$0xd] =	wrdreg s20  }
0x16: {  	s3 =	sshrl.u32 s3, $0x3;
	s17 =	sadd.s32 $0x60, s16;
	[dreg:$0xe] =	wrdreg s15  }
0x17: {  	s12 =	simm.s32 $0x4400;
	s14 =	sadd.s32 s14, s7;
	[dreg:$0xf] =	wrdreg s17  }
0x18: {  	s26 =	sadd.s32 $0x80, s16;
	s3 =	sadd.s32 s3, s7;
	[dreg:$0x4] =	wrdreg s14  }
0x19: {  	s18 =	sadd.s32 $0x13E0, s16;
	s0 =	sadd.s32 $0x28A00, s0;
	[dreg:$0x10] =	wrdreg s26  }
0x1a: {  	s19 =	smax.u32 s5, $0x1;
	s21 =	simm.s32 $0x3;
	[dreg:$0x7] =	wrdreg s3  }
0x1b: {  	s24 =	simm.s32 $0x4;
	s15 =	sshrl.u32 s22, $0x3;
	[dreg:$0x13] =	wrdreg s18  }
0x1c: {  	s14 =	sadd.s32 s25, s7;
	s17 =	sadd.s32 $0xC0, s16;
	[dreg:$0x14] =	wrdreg s0  }
0x1d: {  	[dreg:$0x15] =	wrdreg s19;
	s20 =	sshrl.u32 s6, $0x3;
	s22 =	sshrl.u32 s9, $0x3  }
0x1e: {  	s25 =	sshrl.u32 s13, $0x3;
	s26 =	sshrl.u32 s11, $0x3;
	[dreg:$0x6] =	wrdreg s14  }
0x1f: {  	s0 =	simm.s32 $0x400;
	s3 =	simm.s32 $0xA;
	[dreg:$0x12] =	wrdreg s17  }
0x20: {  	s6 =	simm.s32 $0x2400;
	s11 =	simm.s32 $0xB;
	[dreg:$0x16] =	wrdreg s20  }
0x21: {  	s13 =	simm.s32 $0x1;
	s18 =	simm.s32 $0x2;
	[dreg:$0x18] =	wrdreg s22  }
0x22: {  	s19 =	simm.s32 $0x180;
	s9 =	simm.s32 $0x0;
	[dreg:$0x1b] =	wrdreg s25  }
0x23: {  	s23 =	sadd.s32 s15, s7;
	s15 =	sadd.s32 $0xA0, s16;
	[dreg:$0x1c] =	wrdreg s26  }
0x24: {  	s26 =	simm.s32 $0xD;
	s14 =	simm.s32 $0x80;
	s16 =	simm.s32 $0xC  }
0x25: {  	s17 =	simm.s32 $0x6400;
	s20 =	simm.s32 $0x6;
	s22 =	simm.s32 $0x280  }
0x26: {  	s25 =	simm.s32 $0x380;
	s7 =	simm.s32 $0x8;
	[dreg:$0x5] =	wrdreg s23  }
0x27: {  	[dreg:$0x11] =	wrdreg s15;
	s23 =	sshrl.u32 s10, $0x3;
	s10 =	simm.s32 $0x300  }
0x28: {  	s15 =	simm.s32 $0x5;
	[dreg:$0x19] =	wrdreg s23;
	s23 =	simm.s32 $0x7  }
.LBB2_1:
0x29: {  	[dreg:$0x1d] =	wrdreg s9  }
0x2a: {  	s5 =	rddreg [dreg:$0xa]  }
0x2b: {  	s8 =	rddreg [dreg:$0xb]  }
0x2c: {  	s9 =	sshrl.u32 s5, $0x3;
	s5 =	rddreg [dreg:$0x8]  }
0x2d: {  	[dreg:$0x1e] =	wrdreg s9  }
0x2e: {  	[spmem:s9], [sflag:s8] =	dma.local [hbm:s5], $0x500  }
0x2f: {  	s9 =	rddreg [dreg:$0x16]  }
0x30: {  	[spmem:s9], [sflag:s8] =	dma.local [hbm:s5], $0x500  }
0x31: {  	s9 =	rddreg [dreg:$0x17]  }
0x32: {  	[spmem:s9], [sflag:s8] =	dma.local [hbm:s5], $0x500  }
0x33: {  	s9 =	rddreg [dreg:$0x18]  }
0x34: {  	[spmem:s9], [sflag:s8] =	dma.local [hbm:s5], $0x500  }
0x35: {  	s9 =	rddreg [dreg:$0x19]  }
0x36: {  	[spmem:s9], [sflag:s8] =	dma.local [hbm:s5], $0x500  }
0x37: {  	s9 =	rddreg [dreg:$0x1a]  }
0x38: {  	[spmem:s9], [sflag:s8] =	dma.local [hbm:s5], $0x500  }
0x39: {  	s9 =	rddreg [dreg:$0x1b]  }
0x3a: {  	[spmem:s9], [sflag:s8] =	dma.local [hbm:s5], $0x500  }
0x3b: {  	s9 =	rddreg [dreg:$0x1c]  }
0x3c: {  	[spmem:s9], [sflag:s8] =	dma.local [hbm:s5], $0x500  }
0x3d: {  	_ =	swait.ge [sflag:s26], $0x500  }
0x3e: {  	[sflag:s26] =	ssyncset.done $0x0  }
0x3f: {  	[sflag:s26] =	ssyncadd.s32 $0xFFFFFB00  }
0x40: {  	_ =	swait.ge [sflag:s26], $0x500  }
0x41: {  	[sflag:s26] =	ssyncset.done $0x0  }
0x42: {  	[sflag:s26] =	ssyncadd.s32 $0xFFFFFB00  }
0x43: {  	_ =	swait.ge [sflag:s26], $0x500  }
0x44: {  	[sflag:s26] =	ssyncset.done $0x0  }
0x45: {  	[sflag:s26] =	ssyncadd.s32 $0xFFFFFB00  }
0x46: {  	_ =	swait.ge [sflag:s26], $0x500  }
0x47: {  	[sflag:s26] =	ssyncset.done $0x0  }
0x48: {  	[sflag:s26] =	ssyncadd.s32 $0xFFFFFB00  }
0x49: {  	_ =	swait.ge [sflag:s26], $0x500  }
0x4a: {  	[sflag:s26] =	ssyncset.done $0x0  }
0x4b: {  	[sflag:s26] =	ssyncadd.s32 $0xFFFFFB00  }
0x4c: {  	_ =	swait.ge [sflag:s26], $0x500  }
0x4d: {  	[sflag:s26] =	ssyncset.done $0x0  }
0x4e: {  	[sflag:s26] =	ssyncadd.s32 $0xFFFFFB00  }
0x4f: {  	_ =	swait.ge [sflag:s26], $0x500  }
0x50: {  	[sflag:s26] =	ssyncset.done $0x0  }
0x51: {  	[sflag:s26] =	ssyncadd.s32 $0xFFFFFB00  }
0x52: {  	_ =	swait.ge [sflag:s26], $0x500  }
0x53: {  	[sflag:s26] =	ssyncset.done $0x0  }
0x54: {  	[sflag:s26] =	ssyncadd.s32 $0xFFFFFB00  }
0x55: {  	[bflag:$0x0] =	sbarrier.arrive $0xFFFF  }
0x56: {  	s9 =	rddreg [dreg:$0xc]  }
0x57: {  	[tilespmem:s4], [sflag:$0x9] =	stream.linear.gather [hbm4b:s9+s4], $0x100, $0x38;
	[tilespmem:$0x1BCC0] =	vst v63  }
0x58: {  	s8 =	rddreg [dreg:$0xd]  }
0x59: {  	[tilespmem:s28], [sflag:$0xA] =	stream.linear.gather [hbm4b:s8+s4], $0x100, $0x38;
	[tilespmem:$0x1BCC0] =	vst v63  }
0x5a: {  	s9 =	rddreg [dreg:$0xe]  }
0x5b: {  	[tilespmem:s29], [sflag:$0xB] =	stream.linear.gather [hbm4b:s9+s4], $0x100, $0x38;
	[tilespmem:$0x1BCC0] =	vst v63  }
0x5c: {  	_ =	swait.ge [sflag:s30], $0x100  }
0x5d: {  	[sflag:s30] =	ssyncset.done $0x0  }
0x5e: {  	[sflag:s30] =	ssyncadd.s32 $0xFFFFFF00  }
0x5f: {  	[tilespmem:s0], [sflag:$0x1] =	stream.indirect.gather [hbm4b:s1+s31], $0x80, s4, s31, $0xb8;
	[tilespmem:$0x1BCC0] =	vst v63  }
0x60: {  	_ =	swait.ge [sflag:s3], $0x100  }
0x61: {  	[sflag:s3] =	ssyncset.done $0x0  }
0x62: {  	[sflag:s3] =	ssyncadd.s32 $0xFFFFFF00  }
0x63: {  	[tilespmem:s6], [sflag:$0x2] =	stream.indirect.gather [hbm4b:s1+s31], $0x80, s28, s31, $0xb8;
	[tilespmem:$0x1BCC0] =	vst v63  }
0x64: {  	s8 =	rddreg [dreg:$0xf]  }
0x65: {  	[tilespmem:s10], [sflag:$0xC] =	stream.linear.gather [hbm4b:s8+s4], $0x100, $0x38;
	[tilespmem:$0x1BCC0] =	vst v63  }
0x66: {  	_ =	swait.ge [sflag:s11], $0x100  }
0x67: {  	[sflag:s11] =	ssyncset.done $0x0  }
0x68: {  	[sflag:s11] =	ssyncadd.s32 $0xFFFFFF00  }
0x69: {  	[tilespmem:s12], [sflag:$0x3] =	stream.indirect.gather [hbm4b:s1+s31], $0x80, s29, s31, $0xb8;
	[tilespmem:$0x1BCC0] =	vst v63  }
0x6a: {  	_ =	swait.ge [sflag:s13], $0x2000  }
0x6b: {  	[sflag:s13] =	ssyncset.done $0x0  }
0x6c: {  	[sflag:s13] =	ssyncadd.s32 $0xFFFFE000  }
0x6d: {  	[spmem:s2] =	stream.indirect.scatter.add.f32 [tilespmem:s0], [sflag:$0x5], $0x80, s14, s31, $0xb8;
	[tilespmem:$0x1BCC0] =	vst v63  }
0x6e: {  	_ =	swait.ge [sflag:s15], $0x2000  }
0x6f: {  	[sflag:s15] =	ssyncset.done $0x0  }
0x70: {  	s9 =	rddreg [dreg:$0x10];
	[sflag:s15] =	ssyncadd.s32 $0xFFFFE000  }
0x71: {  	[tilespmem:s4], [sflag:$0x9] =	stream.linear.gather [hbm4b:s9+s4], $0x100, $0x38;
	[tilespmem:$0x1BCC0] =	vst v63  }
0x72: {  	_ =	swait.ge [sflag:s16], $0x100  }
0x73: {  	[sflag:s16] =	ssyncset.done $0x0  }
0x74: {  	[sflag:s16] =	ssyncadd.s32 $0xFFFFFF00  }
0x75: {  	[tilespmem:s17], [sflag:$0x4] =	stream.indirect.gather [hbm4b:s1+s31], $0x80, s10, s31, $0xb8;
	[tilespmem:$0x1BCC0] =	vst v63  }
0x76: {  	_ =	swait.ge [sflag:s18], $0x2000  }
0x77: {  	[sflag:s18] =	ssyncset.done $0x0  }
0x78: {  	[sflag:s18] =	ssyncadd.s32 $0xFFFFE000  }
0x79: {  	[spmem:s2] =	stream.indirect.scatter.add.f32 [tilespmem:s6], [sflag:$0x6], $0x80, s19, s31, $0xb8;
	[tilespmem:$0x1BCC0] =	vst v63  }
0x7a: {  	_ =	swait.ge [sflag:s20], $0x2000  }
0x7b: {  	[sflag:s20] =	ssyncset.done $0x0  }
0x7c: {  	s8 =	rddreg [dreg:$0x11];
	[sflag:s20] =	ssyncadd.s32 $0xFFFFE000  }
0x7d: {  	[tilespmem:s28], [sflag:$0xA] =	stream.linear.gather [hbm4b:s8+s4], $0x100, $0x38;
	[tilespmem:$0x1BCC0] =	vst v63  }
0x7e: {  	_ =	swait.ge [sflag:s30], $0x100  }
0x7f: {  	[sflag:s30] =	ssyncset.done $0x0  }
0x80: {  	[sflag:s30] =	ssyncadd.s32 $0xFFFFFF00  }
0x81: {  	[tilespmem:s0], [sflag:$0x1] =	stream.indirect.gather [hbm4b:s1+s31], $0x80, s4, s31, $0xb8;
	[tilespmem:$0x1BCC0] =	vst v63  }
0x82: {  	_ =	swait.ge [sflag:s21], $0x2000  }
0x83: {  	[sflag:s21] =	ssyncset.done $0x0  }
0x84: {  	[sflag:s21] =	ssyncadd.s32 $0xFFFFE000  }
0x85: {  	[spmem:s2] =	stream.indirect.scatter.add.f32 [tilespmem:s12], [sflag:$0x7], $0x80, s22, s31, $0xb8;
	[tilespmem:$0x1BCC0] =	vst v63  }
0x86: {  	_ =	swait.ge [sflag:s23], $0x2000  }
0x87: {  	[sflag:s23] =	ssyncset.done $0x0  }
0x88: {  	s9 =	rddreg [dreg:$0x12];
	[sflag:s23] =	ssyncadd.s32 $0xFFFFE000  }
0x89: {  	[tilespmem:s29], [sflag:$0xB] =	stream.linear.gather [hbm4b:s9+s4], $0x100, $0x38;
	[tilespmem:$0x1BCC0] =	vst v63  }
0x8a: {  	_ =	swait.ge [sflag:s3], $0x100  }
0x8b: {  	[sflag:s3] =	ssyncset.done $0x0  }
0x8c: {  	[sflag:s3] =	ssyncadd.s32 $0xFFFFFF00  }
0x8d: {  	[tilespmem:s6], [sflag:$0x2] =	stream.indirect.gather [hbm4b:s1+s31], $0x80, s28, s31, $0xb8;
	[tilespmem:$0x1BCC0] =	vst v63  }
0x8e: {  	_ =	swait.ge [sflag:s24], $0x2000  }
0x8f: {  	[sflag:s24] =	ssyncset.done $0x0  }
0x90: {  	[sflag:s24] =	ssyncadd.s32 $0xFFFFE000  }
0x91: {  	[spmem:s2] =	stream.indirect.scatter.add.f32 [tilespmem:s17], [sflag:$0x8], $0x80, s25, s31, $0xb8;
	[tilespmem:$0x1BCC0] =	vst v63  }
0x92: {  	_ =	swait.ge [sflag:s7], $0x2000  }
0x93: {  	s8 =	rddreg [dreg:$0x7];
	[sflag:s7] =	ssyncset.done $0x0  }
0x94: {  	[sflag:s7] =	ssyncadd.s32 $0xFFFFE000;
	s5 =	sadd.s32 $0x0, s8  }
0x95: {  	[tilespmem:s10], [sflag:$0xC] =	stream.linear.gather [hbm4b:s5+s4], $0x100, $0x38;
	[tilespmem:$0x1BCC0] =	vst v63  }
0x96: {  	_ =	swait.ge [sflag:s11], $0x100  }
0x97: {  	[sflag:s11] =	ssyncset.done $0x0  }
0x98: {  	[sflag:s11] =	ssyncadd.s32 $0xFFFFFF00  }
0x99: {  	[tilespmem:s12], [sflag:$0x3] =	stream.indirect.gather [hbm4b:s1+s31], $0x80, s29, s31, $0xb8;
	[tilespmem:$0x1BCC0] =	vst v63  }
0x9a: {  	_ =	swait.ge [sflag:s13], $0x2000  }
0x9b: {  	[sflag:s13] =	ssyncset.done $0x0  }
0x9c: {  	[sflag:s13] =	ssyncadd.s32 $0xFFFFE000  }
0x9d: {  	[spmem:s2] =	stream.indirect.scatter.add.f32 [tilespmem:s0], [sflag:$0x5], $0x80, s14, s31, $0xb8;
	[tilespmem:$0x1BCC0] =	vst v63  }
0x9e: {  	_ =	swait.ge [sflag:s15], $0x2000  }
0x9f: {  	s9 =	rddreg [dreg:$0x6];
	[sflag:s15] =	ssyncset.done $0x0  }
0xa0: {  	[sflag:s15] =	ssyncadd.s32 $0xFFFFE000;
	s5 =	sadd.s32 $0x0, s9  }
0xa1: {  	[tilespmem:s4], [sflag:$0x9] =	stream.linear.gather [hbm4b:s5+s4], $0x100, $0x38;
	[tilespmem:$0x1BCC0] =	vst v63  }
0xa2: {  	_ =	swait.ge [sflag:s16], $0x100  }
0xa3: {  	[sflag:s16] =	ssyncset.done $0x0  }
0xa4: {  	[sflag:s16] =	ssyncadd.s32 $0xFFFFFF00  }
0xa5: {  	[tilespmem:s17], [sflag:$0x4] =	stream.indirect.gather [hbm4b:s1+s31], $0x80, s10, s31, $0xb8;
	[tilespmem:$0x1BCC0] =	vst v63  }
0xa6: {  	_ =	swait.ge [sflag:s18], $0x2000  }
0xa7: {  	[sflag:s18] =	ssyncset.done $0x0  }
0xa8: {  	[sflag:s18] =	ssyncadd.s32 $0xFFFFE000  }
0xa9: {  	[spmem:s2] =	stream.indirect.scatter.add.f32 [tilespmem:s6], [sflag:$0x6], $0x80, s19, s31, $0xb8;
	[tilespmem:$0x1BCC0] =	vst v63  }
0xaa: {  	_ =	swait.ge [sflag:s20], $0x2000  }
0xab: {  	s8 =	rddreg [dreg:$0x5];
	[sflag:s20] =	ssyncset.done $0x0  }
0xac: {  	[sflag:s20] =	ssyncadd.s32 $0xFFFFE000;
	s5 =	sadd.s32 $0x0, s8  }
0xad: {  	[tilespmem:s28], [sflag:$0xA] =	stream.linear.gather [hbm4b:s5+s4], $0x100, $0x38;
	[tilespmem:$0x1BCC0] =	vst v63  }
0xae: {  	_ =	swait.ge [sflag:s30], $0x100  }
0xaf: {  	[sflag:s30] =	ssyncset.done $0x0  }
0xb0: {  	[sflag:s30] =	ssyncadd.s32 $0xFFFFFF00  }
0xb1: {  	[tilespmem:s0], [sflag:$0x1] =	stream.indirect.gather [hbm4b:s1+s31], $0x80, s4, s31, $0xb8;
	[tilespmem:$0x1BCC0] =	vst v63  }
0xb2: {  	_ =	swait.ge [sflag:s21], $0x2000  }
0xb3: {  	[sflag:s21] =	ssyncset.done $0x0  }
0xb4: {  	[sflag:s21] =	ssyncadd.s32 $0xFFFFE000  }
0xb5: {  	[spmem:s2] =	stream.indirect.scatter.add.f32 [tilespmem:s12], [sflag:$0x7], $0x80, s22, s31, $0xb8;
	[tilespmem:$0x1BCC0] =	vst v63  }
0xb6: {  	_ =	swait.ge [sflag:s23], $0x2000  }
0xb7: {  	s9 =	rddreg [dreg:$0x4];
	[sflag:s23] =	ssyncset.done $0x0  }
0xb8: {  	[sflag:s23] =	ssyncadd.s32 $0xFFFFE000;
	s5 =	sadd.s32 $0x0, s9  }
0xb9: {  	[tilespmem:s29], [sflag:$0xB] =	stream.linear.gather [hbm4b:s5+s4], $0x100, $0x38;
	[tilespmem:$0x1BCC0] =	vst v63  }
0xba: {  	_ =	swait.ge [sflag:s3], $0x100  }
0xbb: {  	[sflag:s3] =	ssyncset.done $0x0  }
0xbc: {  	[sflag:s3] =	ssyncadd.s32 $0xFFFFFF00  }
0xbd: {  	[tilespmem:s6], [sflag:$0x2] =	stream.indirect.gather [hbm4b:s1+s31], $0x80, s28, s31, $0xb8;
	[tilespmem:$0x1BCC0] =	vst v63  }
0xbe: {  	_ =	swait.ge [sflag:s24], $0x2000  }
0xbf: {  	[sflag:s24] =	ssyncset.done $0x0  }
0xc0: {  	s5 =	simm.s32 $0x80;
	[sflag:s24] =	ssyncadd.s32 $0xFFFFE000  }
.LBB2_2:
0xc1: {  	[spmem:s2] =	stream.indirect.scatter.add.f32 [tilespmem:s17], [sflag:$0x8], $0x80, s25, s31, $0xb8;
	[tilespmem:$0x1BCC0] =	vst v63  }
0xc2: {  	_ =	swait.ge [sflag:s7], $0x2000  }
0xc3: {  	s8 =	smov.u32 s5;
	s9 =	rddreg [dreg:$0x7];
	[sflag:s7] =	ssyncset.done $0x0  }
0xc4: {  	[sflag:s7] =	ssyncadd.s32 $0xFFFFE000;
	s9 =	sadd.s32 s8, s9  }
0xc5: {  	[tilespmem:s10], [sflag:$0xC] =	stream.linear.gather [hbm4b:s9+s4], $0x100, $0x38;
	[tilespmem:$0x1BCC0] =	vst v63  }
0xc6: {  	_ =	swait.ge [sflag:s11], $0x100  }
0xc7: {  	[sflag:s11] =	ssyncset.done $0x0  }
0xc8: {  	[sflag:s11] =	ssyncadd.s32 $0xFFFFFF00  }
0xc9: {  	[tilespmem:s12], [sflag:$0x3] =	stream.indirect.gather [hbm4b:s1+s31], $0x80, s29, s31, $0xb8;
	[tilespmem:$0x1BCC0] =	vst v63  }
0xca: {  	_ =	swait.ge [sflag:s13], $0x2000  }
0xcb: {  	[sflag:s13] =	ssyncset.done $0x0  }
0xcc: {  	[sflag:s13] =	ssyncadd.s32 $0xFFFFE000  }
0xcd: {  	[spmem:s2] =	stream.indirect.scatter.add.f32 [tilespmem:s0], [sflag:$0x5], $0x80, s14, s31, $0xb8;
	[tilespmem:$0x1BCC0] =	vst v63  }
0xce: {  	_ =	swait.ge [sflag:s15], $0x2000  }
0xcf: {  	s9 =	rddreg [dreg:$0x6];
	[sflag:s15] =	ssyncset.done $0x0  }
0xd0: {  	[sflag:s15] =	ssyncadd.s32 $0xFFFFE000;
	s9 =	sadd.s32 s8, s9  }
0xd1: {  	[tilespmem:s4], [sflag:$0x9] =	stream.linear.gather [hbm4b:s9+s4], $0x100, $0x38;
	[tilespmem:$0x1BCC0] =	vst v63  }
0xd2: {  	_ =	swait.ge [sflag:s16], $0x100  }
0xd3: {  	[sflag:s16] =	ssyncset.done $0x0  }
0xd4: {  	[sflag:s16] =	ssyncadd.s32 $0xFFFFFF00  }
0xd5: {  	[tilespmem:s17], [sflag:$0x4] =	stream.indirect.gather [hbm4b:s1+s31], $0x80, s10, s31, $0xb8;
	[tilespmem:$0x1BCC0] =	vst v63  }
0xd6: {  	_ =	swait.ge [sflag:s18], $0x2000  }
0xd7: {  	[sflag:s18] =	ssyncset.done $0x0  }
0xd8: {  	[sflag:s18] =	ssyncadd.s32 $0xFFFFE000  }
0xd9: {  	[spmem:s2] =	stream.indirect.scatter.add.f32 [tilespmem:s6], [sflag:$0x6], $0x80, s19, s31, $0xb8;
	[tilespmem:$0x1BCC0] =	vst v63  }
0xda: {  	_ =	swait.ge [sflag:s20], $0x2000  }
0xdb: {  	s9 =	rddreg [dreg:$0x5];
	[sflag:s20] =	ssyncset.done $0x0  }
0xdc: {  	[sflag:s20] =	ssyncadd.s32 $0xFFFFE000;
	s9 =	sadd.s32 s8, s9  }
0xdd: {  	[tilespmem:s28], [sflag:$0xA] =	stream.linear.gather [hbm4b:s9+s4], $0x100, $0x38;
	[tilespmem:$0x1BCC0] =	vst v63  }
0xde: {  	_ =	swait.ge [sflag:s30], $0x100  }
0xdf: {  	[sflag:s30] =	ssyncset.done $0x0  }
0xe0: {  	[sflag:s30] =	ssyncadd.s32 $0xFFFFFF00  }
0xe1: {  	[tilespmem:s0], [sflag:$0x1] =	stream.indirect.gather [hbm4b:s1+s31], $0x80, s4, s31, $0xb8;
	[tilespmem:$0x1BCC0] =	vst v63  }
0xe2: {  	_ =	swait.ge [sflag:s21], $0x2000  }
0xe3: {  	[sflag:s21] =	ssyncset.done $0x0  }
0xe4: {  	[sflag:s21] =	ssyncadd.s32 $0xFFFFE000  }
0xe5: {  	[spmem:s2] =	stream.indirect.scatter.add.f32 [tilespmem:s12], [sflag:$0x7], $0x80, s22, s31, $0xb8;
	[tilespmem:$0x1BCC0] =	vst v63  }
0xe6: {  	_ =	swait.ge [sflag:s23], $0x2000  }
0xe7: {  	s9 =	rddreg [dreg:$0x4];
	[sflag:s23] =	ssyncset.done $0x0  }
0xe8: {  	[sflag:s23] =	ssyncadd.s32 $0xFFFFE000;
	s8 =	sadd.s32 s8, s9  }
0xe9: {  	[tilespmem:s29], [sflag:$0xB] =	stream.linear.gather [hbm4b:s8+s4], $0x100, $0x38;
	[tilespmem:$0x1BCC0] =	vst v63  }
0xea: {  	_ =	swait.ge [sflag:s3], $0x100  }
0xeb: {  	p0 =	sne.s32 s5, $0x1280;
	[sflag:s3] =	ssyncset.done $0x0  }
.Ltmp0:
0xec: {  	[sflag:s3] =	ssyncadd.s32 $0xFFFFFF00;
	(pc) =	sbr.rel @p0 .LBB2_2-.Ltmp0, $4  }
0xed: {  	[tilespmem:s6], [sflag:$0x2] =	stream.indirect.gather [hbm4b:s1+s31], $0x80, s28, s31, $0xb8;
	[tilespmem:$0x1BCC0] =	vst v63  }
0xee: {  	_ =	swait.ge [sflag:s24], $0x2000  }
0xef: {  	[sflag:s24] =	ssyncset.done $0x0  }
0xf0: {  	s5 =	sadd.s32 $0x80, s5;
	[sflag:s24] =	ssyncadd.s32 $0xFFFFE000  }
0xf1: {  	[spmem:s2] =	stream.indirect.scatter.add.f32 [tilespmem:s17], [sflag:$0x8], $0x80, s25, s31, $0xb8;
	[tilespmem:$0x1BCC0] =	vst v63  }
0xf2: {  	_ =	swait.ge [sflag:s7], $0x2000  }
0xf3: {  	[sflag:s7] =	ssyncset.done $0x0  }
0xf4: {  	s5 =	rddreg [dreg:$0x13];
	[sflag:s7] =	ssyncadd.s32 $0xFFFFE000  }
0xf5: {  	[tilespmem:s10], [sflag:$0xC] =	stream.linear.gather [hbm4b:s5+s4], $0x100, $0x38;
	[tilespmem:$0x1BCC0] =	vst v63  }
0xf6: {  	_ =	swait.ge [sflag:s11], $0x100  }
0xf7: {  	[sflag:s11] =	ssyncset.done $0x0  }
0xf8: {  	[sflag:s11] =	ssyncadd.s32 $0xFFFFFF00  }
0xf9: {  	[tilespmem:s12], [sflag:$0x3] =	stream.indirect.gather [hbm4b:s1+s31], $0x80, s29, s31, $0xb8;
	[tilespmem:$0x1BCC0] =	vst v63  }
0xfa: {  	_ =	swait.ge [sflag:s13], $0x2000  }
0xfb: {  	[sflag:s13] =	ssyncset.done $0x0  }
0xfc: {  	[sflag:s13] =	ssyncadd.s32 $0xFFFFE000  }
0xfd: {  	[spmem:s2] =	stream.indirect.scatter.add.f32 [tilespmem:s0], [sflag:$0x5], $0x80, s14, s31, $0xb8;
	[tilespmem:$0x1BCC0] =	vst v63  }
0xfe: {  	_ =	swait.ge [sflag:s15], $0x2000  }
0xff: {  	[sflag:s15] =	ssyncset.done $0x0  }
0x100: {  	[sflag:s15] =	ssyncadd.s32 $0xFFFFE000  }
0x101: {  	_ =	swait.ge [sflag:s16], $0x100  }
0x102: {  	[sflag:s16] =	ssyncset.done $0x0  }
0x103: {  	[sflag:s16] =	ssyncadd.s32 $0xFFFFFF00  }
0x104: {  	[tilespmem:s17], [sflag:$0x4] =	stream.indirect.gather [hbm4b:s1+s31], $0x80, s10, s31, $0xb8;
	[tilespmem:$0x1BCC0] =	vst v63  }
0x105: {  	_ =	swait.ge [sflag:s18], $0x2000  }
0x106: {  	[sflag:s18] =	ssyncset.done $0x0  }
0x107: {  	[sflag:s18] =	ssyncadd.s32 $0xFFFFE000  }
0x108: {  	[spmem:s2] =	stream.indirect.scatter.add.f32 [tilespmem:s6], [sflag:$0x6], $0x80, s19, s31, $0xb8;
	[tilespmem:$0x1BCC0] =	vst v63  }
0x109: {  	_ =	swait.ge [sflag:s20], $0x2000  }
0x10a: {  	[sflag:s20] =	ssyncset.done $0x0  }
0x10b: {  	[sflag:s20] =	ssyncadd.s32 $0xFFFFE000  }
0x10c: {  	_ =	swait.ge [sflag:s21], $0x2000  }
0x10d: {  	[sflag:s21] =	ssyncset.done $0x0  }
0x10e: {  	[sflag:s21] =	ssyncadd.s32 $0xFFFFE000  }
0x10f: {  	[spmem:s2] =	stream.indirect.scatter.add.f32 [tilespmem:s12], [sflag:$0x7], $0x80, s22, s31, $0xb8;
	[tilespmem:$0x1BCC0] =	vst v63  }
0x110: {  	_ =	swait.ge [sflag:s23], $0x2000  }
0x111: {  	[sflag:s23] =	ssyncset.done $0x0  }
0x112: {  	[sflag:s23] =	ssyncadd.s32 $0xFFFFE000  }
0x113: {  	_ =	swait.ge [sflag:s24], $0x2000  }
0x114: {  	[sflag:s24] =	ssyncset.done $0x0  }
0x115: {  	[sflag:s24] =	ssyncadd.s32 $0xFFFFE000  }
0x116: {  	[spmem:s2] =	stream.indirect.scatter.add.f32 [tilespmem:s17], [sflag:$0x8], $0x80, s25, s31, $0xb8;
	[tilespmem:$0x1BCC0] =	vst v63  }
0x117: {  	_ =	swait.ge [sflag:s7], $0x2000  }
0x118: {  	[sflag:s7] =	ssyncset.done $0x0  }
0x119: {  	[sflag:s7] =	ssyncadd.s32 $0xFFFFE000  }
0x11a: {  	[bflag:$0x0] =	sbarrier.arrive $0xFFFF  }
0x11b: {  	s9 =	rddreg [dreg:$0x9]  }
0x11c: {  	s8 =	rddreg [dreg:$0x14]  }
0x11d: {  	s5 =	sor.u32 $0x1C0E, s9;
	s9 =	rddreg [dreg:$0x1e]  }
0x11e: {  	[hbm:s8], [sflag:s5] =	dma.local [spmem:s9], $0x2800  }
0x11f: {  	s8 =	simm.s32 $0xE  }
0x120: {  	_ =	swait.ge [sflag:s8], $0x2800  }
0x121: {  	s5 =	rddreg [dreg:$0x1d]  }
0x122: {  	s9 =	sadd.s32 $0x1, s5;
	s5 =	rddreg [dreg:$0x15]  }
0x123: {  	p0 =	sne.s32 s9, s5  }
.Ltmp1:
0x124: {  	_ = 	snop;
	(pc) =	sbr.rel @p0 .LBB2_1-.Ltmp1, $3  }
0x125: {  	_ =	sdelay $0x1  }
0x126: {  	[sflag:s8] =	ssyncset.done $0x0  }
0x127: {  	[sflag:s8] =	ssyncadd.s32 $0xFFFFD800  }
0x128: {  	_ =	sfence.sel $0x180000  }
0x129: {  	[bflag:$0x0] =	sbarrier.arrive $0xFFFF  }
0x12a: {  	_ =	strace $0x90000047  }
0x12b: {  	s0 =	stileid.u32;
	[bflag:$0x2] =	sbarrier.arrive $0xFFFF  }
0x12c: {  	p0 =	sne.s32 s0, $0x0;
	s0 =	rddreg [dreg:$0x3]  }
0x12d: {  	s0 =	sadd.s32 @!p0 $0x100000, s0  }
0x12e: {  	[sflag:s0] =	ssyncadd.tile.s32 @!p0 $0x1;
	_ =	shalt  }
.Lfunc_end2:
_tile_overlayer_lowered:
.L_overlay_start_2:
0x12f: {  	(tag) =	ssettag $0x2  }
0x130: {  	s0 =	rddreg [dreg:$0x0];
	s2 =	stileid.u32  }
0x131: {  	s1 =	rddreg [dreg:$0x1];
	p0 =	sne.s32 s2, $0x0  }
0x132: {  	s3 =	rddreg [dreg:$0x2];
	[bflag:$0x3] =	sbarrier.arrive $0xFFFF;
	s2 =	simm.s32 @!p0 $0x1C0E  }
0x133: {  	[timem:s3], [sflag:s2] =	dma.local @!p0 [hbm:s0], s1  }
0x134: {  	s0 =	simm.s32 @!p0 $0xE  }
0x135: {  	_ =	swait.ge @!p0 [sflag:s0], s1  }
0x136: {  	s1 =	ssub.s32 @!p0 $0x0, s1;
	[sflag:s0] =	ssyncset.done @!p0 $0x0  }
0x137: {  	[sflag:s0] =	ssyncadd.s32 @!p0 s1  }
0x138: {  	[bflag:$0x3] =	sbarrier.arrive $0xFFFF  }
0x139: {  	_ =	shalt  }

</sc_bundles>
